<compile_context>
chip_gen: v7x
topology: tpu7x:2x2x1
jax: 0.10.2.dev20260603
libtpu: 0.0.44.dev20260713+nightly
codegen_flags: <defaults>
</compile_context>

<pallas_src>
import functools

import numpy as np
import jax
import jax.numpy as jnp
from jax import lax
from jax.experimental import pallas as pl
from jax.experimental.pallas import tpu as pltpu
from jax.experimental.pallas import tpu_sc as plsc

_N, _T, _D = 128, 2048, 128


def _crop_constants():
    np.random.seed(1)
    crop_l = int(np.random.randint(low=2, high=_T + 1))
    crop_left = int(np.random.randint(_T - crop_l + 1))
    crop_right = crop_left + crop_l
    crop_eleft = int(np.random.randint(crop_left + 1))
    crop_eright = int(np.random.randint(low=crop_right, high=_T + 1))
    crop_offset = np.random.randint(
        low=-crop_eleft, high=_T - crop_eright + 1, size=_N
    )
    return crop_l, crop_left, crop_eleft, crop_offset


_CROP_L, _CROP_LEFT, _CROP_ELEFT, _OFF = _crop_constants()
_START = _OFF + _CROP_LEFT
_B = _N * _CROP_L

_NC, _NS = 2, 16
_NW = _NC * _NS
_RPW = _N // _NW
_CB = 448

_BASES = np.zeros((_NW, _RPW), np.int64)
for _w in range(_NW):
    for _j in range(_RPW):
        _r = _w * _RPW + _j
        _BASES[_w, _j] = _r * _T + _START[_r]

_CHUNKS = []
for _j in range(_RPW):
    _o = 0
    while _o < _CROP_L:
        _ln = min(_CB, _CROP_L - _o)
        if _ln % 8:
            _ln8 = -(-_ln // 8) * 8
            _CHUNKS.append((_j, _CROP_L - _ln8, _ln8))
            break
        _CHUNKS.append((_j, _o, _ln))
        _o += _ln


def _crop_copy(x2d):
    mesh = plsc.VectorSubcoreMesh(core_axis_name="c", subcore_axis_name="s")
    out_sds = jax.ShapeDtypeStruct((_CROP_L, _N, _D), jnp.float32)

    @functools.partial(
        pl.kernel,
        mesh=mesh,
        out_type=(out_sds, out_sds),
        compiler_params=pltpu.CompilerParams(use_tc_tiling_on_sc=False),
        scratch_types=[
            pltpu.VMEM((_CB, _D), jnp.float32),
            pltpu.VMEM((_CB, _D), jnp.float32),
            pltpu.SemaphoreType.DMA,
            pltpu.SemaphoreType.DMA,
        ],
    )
    def k(x_hbm, out_a, out_b, buf0, buf1, sem0, sem1):
        wid = lax.axis_index("s") * _NC + lax.axis_index("c")
        src_base = []
        for j in range(_RPW):
            b = jnp.int32(int(_BASES[0, j]))
            for w in range(1, _NW):
                b = jnp.where(wid == w, jnp.int32(int(_BASES[w, j])), b)
            src_base.append(b)
        bufs = (buf0, buf1)
        sems = (sem0, sem1)

        def src(t):
            j, o, ln = _CHUNKS[t]
            off = src_base[j] + o
            return x_hbm.at[pl.ds(off, ln)]

        def stage(t):
            j, o, ln = _CHUNKS[t]
            return bufs[t % 2].at[pl.ds(0, ln)]

        def dst(t, out_hbm):
            j, o, ln = _CHUNKS[t]
            rb = wid * _RPW + j
            return out_hbm.at[pl.ds(o, ln), rb]

        pltpu.make_async_copy(src(0), stage(0), sems[0]).start()
        for t in range(len(_CHUNKS)):
            b = t % 2
            pltpu.make_async_copy(src(t), stage(t), sems[b]).wait()
            if t + 1 < len(_CHUNKS):
                pltpu.make_async_copy(
                    src(t + 1), stage(t + 1), sems[1 - b]
                ).start()
            pltpu.sync_copy(stage(t), dst(t, out_a))
            pltpu.sync_copy(stage(t), dst(t, out_b))

    return k(x2d)


def kernel(x):
    x2d = x.reshape(_N * _T, _D)
    out_a, out_b = _crop_copy(x2d)
    s1 = jnp.transpose(out_a, (1, 0, 2))
    s2 = jnp.transpose(out_b, (1, 0, 2))
    left1 = jnp.asarray(_OFF + _CROP_ELEFT, dtype=jnp.int32)
    left2 = jnp.asarray(_START, dtype=jnp.int32)
    return (s1, left1, s2, left2, jnp.asarray(_CROP_L))

# --- scband reference (transcript-rebuilt; emitter-appended) ---
"""Pipeline reference for scband-random-cropping2-42159398977676 (READ-ONLY COPY).

The authoritative reference and input builder live on the scoring server;
editing this copy changes nothing except your own understanding.
"""

import jax, jax.numpy as jnp
import numpy as np


def _crop_params(N, T):
    # Faithful reproduction of the module's numpy RNG usage (seed fixed to 1)
    np.random.seed(1)
    temporal_unit = 0
    crop_l = int(np.random.randint(low=2 ** (temporal_unit + 1), high=T + 1))
    crop_left = int(np.random.randint(T - crop_l + 1))
    crop_right = crop_left + crop_l
    crop_eleft = int(np.random.randint(crop_left + 1))
    crop_eright = int(np.random.randint(low=crop_right, high=T + 1))
    crop_offset = np.random.randint(low=-crop_eleft, high=T - crop_eright + 1, size=N)
    return crop_l, crop_left, crop_right, crop_eleft, crop_eright, crop_offset


def take_per_row(A, indx, num_elem):
    all_indx = indx[:, None] + jnp.arange(num_elem)
    return A[jnp.arange(all_indx.shape[0])[:, None], all_indx]


def setup_inputs(seed: int = 0) -> dict:
    key = jax.random.key(seed)
    x = jax.random.normal(key, (128, 2048, 128), dtype=jnp.float32)
    return {"x": x}


def reference(x):
    N, T, D = x.shape
    crop_l, crop_left, crop_right, crop_eleft, crop_eright, crop_offset = _crop_params(N, T)
    off = jnp.asarray(crop_offset, dtype=jnp.int32)
    test1 = take_per_row(x, off + crop_eleft, crop_right - crop_eleft)
    test2 = take_per_row(x, off + crop_left, crop_eright - crop_left)
    s1 = test1[:, -crop_l:]
    s2 = test2[:, :crop_l]
    left1 = off + crop_eleft
    left2 = off + crop_left
    return (s1, left1, s2, left2, jnp.asarray(crop_l))

if __name__ == "__main__":
    import jax
    _d = setup_inputs()
    print(jax.jit(kernel)(*tuple(_d.values())))

</pallas_src>

<mosaic_0001>
#map = affine_map<(d0, d1) -> (0, 0)>
#map1 = affine_map<(d0, d1) -> (0, 0, 0)>
module attributes {stable_mosaic.version = 14 : i64} {
  func.func @k(%arg0: i32, %arg1: i32, %arg2: memref<262144x128xf32, #tpu.memory_space<hbm>>, %arg3: memref<1063x128x128xf32, #tpu.memory_space<hbm>>, %arg4: memref<1063x128x128xf32, #tpu.memory_space<hbm>>, %arg5: memref<448x128xf32, #tpu.memory_space<vmem>>, %arg6: memref<448x128xf32, #tpu.memory_space<vmem>>, %arg7: memref<!tpu.dma_semaphore, #tpu.memory_space<semaphore_mem>>, %arg8: memref<!tpu.dma_semaphore, #tpu.memory_space<semaphore_mem>>) attributes {dimension_semantics = [#tpu.dimension_semantics<core_parallel>, #tpu.dimension_semantics<subcore_parallel>], iteration_bounds = array<i64: 2, 16>, scalar_prefetch = 0 : i64, scratch_operands = 4 : i64, tpu.core_type = #tpu.core_type<sc_vector_subcore>, window_params = [{transform_indices = #map}, {transform_indices = #map1}, {transform_indices = #map1}]} {
    %mul3A = arith.constant 2 : i32
    %mul3A_0 = arith.muli %arg1, %mul3A : i32
    %add3A = arith.addi %mul3A_0, %arg0 : i32
    %eq3A = arith.constant 1 : i32
    %eq3A_1 = arith.cmpi eq, %add3A, %eq3A : i32
    %jit3A = arith.constant 8416 : i32
    %jit3A_2 = arith.constant 862 : i32
    %select_n3A = arith.select %eq3A_1, %jit3A, %jit3A_2 : i32
    %eq3A_3 = arith.constant 2 : i32
    %eq3A_4 = arith.cmpi eq, %add3A, %eq3A_3 : i32
    %jit3A_5 = arith.constant 16869 : i32
    %select_n3A_6 = arith.select %eq3A_4, %jit3A_5, %select_n3A : i32
    %eq3A_7 = arith.constant 3 : i32
    %eq3A_8 = arith.cmpi eq, %add3A, %eq3A_7 : i32
    %jit3A_9 = arith.constant 24925 : i32
    %select_n3A_10 = arith.select %eq3A_8, %jit3A_9, %select_n3A_6 : i32
    %eq3A_11 = arith.constant 4 : i32
    %eq3A_12 = arith.cmpi eq, %add3A, %eq3A_11 : i32
    %jit3A_13 = arith.constant 33353 : i32
    %select_n3A_14 = arith.select %eq3A_12, %jit3A_13, %select_n3A_10 : i32
    %eq3A_15 = arith.constant 5 : i32
    %eq3A_16 = arith.cmpi eq, %add3A, %eq3A_15 : i32
    %jit3A_17 = arith.constant 41635 : i32
    %select_n3A_18 = arith.select %eq3A_16, %jit3A_17, %select_n3A_14 : i32
    %eq3A_19 = arith.constant 6 : i32
    %eq3A_20 = arith.cmpi eq, %add3A, %eq3A_19 : i32
    %jit3A_21 = arith.constant 49725 : i32
    %select_n3A_22 = arith.select %eq3A_20, %jit3A_21, %select_n3A_18 : i32
    %eq3A_23 = arith.constant 7 : i32
    %eq3A_24 = arith.cmpi eq, %add3A, %eq3A_23 : i32
    %jit3A_25 = arith.constant 57446 : i32
    %select_n3A_26 = arith.select %eq3A_24, %jit3A_25, %select_n3A_22 : i32
    %eq3A_27 = arith.constant 8 : i32
    %eq3A_28 = arith.cmpi eq, %add3A, %eq3A_27 : i32
    %jit3A_29 = arith.constant 66144 : i32
    %select_n3A_30 = arith.select %eq3A_28, %jit3A_29, %select_n3A_26 : i32
    %eq3A_31 = arith.constant 9 : i32
    %eq3A_32 = arith.cmpi eq, %add3A, %eq3A_31 : i32
    %jit3A_33 = arith.constant 74551 : i32
    %select_n3A_34 = arith.select %eq3A_32, %jit3A_33, %select_n3A_30 : i32
    %eq3A_35 = arith.constant 10 : i32
    %eq3A_36 = arith.cmpi eq, %add3A, %eq3A_35 : i32
    %jit3A_37 = arith.constant 82648 : i32
    %select_n3A_38 = arith.select %eq3A_36, %jit3A_37, %select_n3A_34 : i32
    %eq3A_39 = arith.constant 11 : i32
    %eq3A_40 = arith.cmpi eq, %add3A, %eq3A_39 : i32
    %jit3A_41 = arith.constant 90594 : i32
    %select_n3A_42 = arith.select %eq3A_40, %jit3A_41, %select_n3A_38 : i32
    %eq3A_43 = arith.constant 12 : i32
    %eq3A_44 = arith.cmpi eq, %add3A, %eq3A_43 : i32
    %jit3A_45 = arith.constant 98914 : i32
    %select_n3A_46 = arith.select %eq3A_44, %jit3A_45, %select_n3A_42 : i32
    %eq3A_47 = arith.constant 13 : i32
    %eq3A_48 = arith.cmpi eq, %add3A, %eq3A_47 : i32
    %jit3A_49 = arith.constant 107179 : i32
    %select_n3A_50 = arith.select %eq3A_48, %jit3A_49, %select_n3A_46 : i32
    %eq3A_51 = arith.constant 14 : i32
    %eq3A_52 = arith.cmpi eq, %add3A, %eq3A_51 : i32
    %jit3A_53 = arith.constant 115080 : i32
    %select_n3A_54 = arith.select %eq3A_52, %jit3A_53, %select_n3A_50 : i32
    %eq3A_55 = arith.constant 15 : i32
    %eq3A_56 = arith.cmpi eq, %add3A, %eq3A_55 : i32
    %jit3A_57 = arith.constant 123171 : i32
    %select_n3A_58 = arith.select %eq3A_56, %jit3A_57, %select_n3A_54 : i32
    %eq3A_59 = arith.constant 16 : i32
    %eq3A_60 = arith.cmpi eq, %add3A, %eq3A_59 : i32
    %jit3A_61 = arith.constant 131638 : i32
    %select_n3A_62 = arith.select %eq3A_60, %jit3A_61, %select_n3A_58 : i32
    %eq3A_63 = arith.constant 17 : i32
    %eq3A_64 = arith.cmpi eq, %add3A, %eq3A_63 : i32
    %jit3A_65 = arith.constant 139381 : i32
    %select_n3A_66 = arith.select %eq3A_64, %jit3A_65, %select_n3A_62 : i32
    %eq3A_67 = arith.constant 18 : i32
    %eq3A_68 = arith.cmpi eq, %add3A, %eq3A_67 : i32
    %jit3A_69 = arith.constant 147830 : i32
    %select_n3A_70 = arith.select %eq3A_68, %jit3A_69, %select_n3A_66 : i32
    %eq3A_71 = arith.constant 19 : i32
    %eq3A_72 = arith.cmpi eq, %add3A, %eq3A_71 : i32
    %jit3A_73 = arith.constant 156056 : i32
    %select_n3A_74 = arith.select %eq3A_72, %jit3A_73, %select_n3A_70 : i32
    %eq3A_75 = arith.constant 20 : i32
    %eq3A_76 = arith.cmpi eq, %add3A, %eq3A_75 : i32
    %jit3A_77 = arith.constant 164223 : i32
    %select_n3A_78 = arith.select %eq3A_76, %jit3A_77, %select_n3A_74 : i32
    %eq3A_79 = arith.constant 21 : i32
    %eq3A_80 = arith.cmpi eq, %add3A, %eq3A_79 : i32
    %jit3A_81 = arith.constant 172782 : i32
    %select_n3A_82 = arith.select %eq3A_80, %jit3A_81, %select_n3A_78 : i32
    %eq3A_83 = arith.constant 22 : i32
    %eq3A_84 = arith.cmpi eq, %add3A, %eq3A_83 : i32
    %jit3A_85 = arith.constant 180562 : i32
    %select_n3A_86 = arith.select %eq3A_84, %jit3A_85, %select_n3A_82 : i32
    %eq3A_87 = arith.constant 23 : i32
    %eq3A_88 = arith.cmpi eq, %add3A, %eq3A_87 : i32
    %jit3A_89 = arith.constant 188813 : i32
    %select_n3A_90 = arith.select %eq3A_88, %jit3A_89, %select_n3A_86 : i32
    %eq3A_91 = arith.constant 24 : i32
    %eq3A_92 = arith.cmpi eq, %add3A, %eq3A_91 : i32
    %jit3A_93 = arith.constant 197024 : i32
    %select_n3A_94 = arith.select %eq3A_92, %jit3A_93, %select_n3A_90 : i32
    %eq3A_95 = arith.constant 25 : i32
    %eq3A_96 = arith.cmpi eq, %add3A, %eq3A_95 : i32
    %jit3A_97 = arith.constant 205356 : i32
    %select_n3A_98 = arith.select %eq3A_96, %jit3A_97, %select_n3A_94 : i32
    %eq3A_99 = arith.constant 26 : i32
    %eq3A_100 = arith.cmpi eq, %add3A, %eq3A_99 : i32
    %jit3A_101 = arith.constant 213541 : i32
    %select_n3A_102 = arith.select %eq3A_100, %jit3A_101, %select_n3A_98 : i32
    %eq3A_103 = arith.constant 27 : i32
    %eq3A_104 = arith.cmpi eq, %add3A, %eq3A_103 : i32
    %jit3A_105 = arith.constant 221994 : i32
    %select_n3A_106 = arith.select %eq3A_104, %jit3A_105, %select_n3A_102 : i32
    %eq3A_107 = arith.constant 28 : i32
    %eq3A_108 = arith.cmpi eq, %add3A, %eq3A_107 : i32
    %jit3A_109 = arith.constant 229546 : i32
    %select_n3A_110 = arith.select %eq3A_108, %jit3A_109, %select_n3A_106 : i32
    %eq3A_111 = arith.constant 29 : i32
    %eq3A_112 = arith.cmpi eq, %add3A, %eq3A_111 : i32
    %jit3A_113 = arith.constant 238205 : i32
    %select_n3A_114 = arith.select %eq3A_112, %jit3A_113, %select_n3A_110 : i32
    %eq3A_115 = arith.constant 30 : i32
    %eq3A_116 = arith.cmpi eq, %add3A, %eq3A_115 : i32
    %jit3A_117 = arith.constant 246424 : i32
    %select_n3A_118 = arith.select %eq3A_116, %jit3A_117, %select_n3A_114 : i32
    %eq3A_119 = arith.constant 31 : i32
    %eq3A_120 = arith.cmpi eq, %add3A, %eq3A_119 : i32
    %jit3A_121 = arith.constant 254143 : i32
    %select_n3A_122 = arith.select %eq3A_120, %jit3A_121, %select_n3A_118 : i32
    %eq3A_123 = arith.constant 1 : i32
    %eq3A_124 = arith.cmpi eq, %add3A, %eq3A_123 : i32
    %jit3A_125 = arith.constant 10918 : i32
    %jit3A_126 = arith.constant 2858 : i32
    %select_n3A_127 = arith.select %eq3A_124, %jit3A_125, %jit3A_126 : i32
    %eq3A_128 = arith.constant 2 : i32
    %eq3A_129 = arith.cmpi eq, %add3A, %eq3A_128 : i32
    %jit3A_130 = arith.constant 18808 : i32
    %select_n3A_131 = arith.select %eq3A_129, %jit3A_130, %select_n3A_127 : i32
    %eq3A_132 = arith.constant 3 : i32
    %eq3A_133 = arith.cmpi eq, %add3A, %eq3A_132 : i32
    %jit3A_134 = arith.constant 27076 : i32
    %select_n3A_135 = arith.select %eq3A_133, %jit3A_134, %select_n3A_131 : i32
    %eq3A_136 = arith.constant 4 : i32
    %eq3A_137 = arith.cmpi eq, %add3A, %eq3A_136 : i32
    %jit3A_138 = arith.constant 35579 : i32
    %select_n3A_139 = arith.select %eq3A_137, %jit3A_138, %select_n3A_135 : i32
    %eq3A_140 = arith.constant 5 : i32
    %eq3A_141 = arith.cmpi eq, %add3A, %eq3A_140 : i32
    %jit3A_142 = arith.constant 43318 : i32
    %select_n3A_143 = arith.select %eq3A_141, %jit3A_142, %select_n3A_139 : i32
    %eq3A_144 = arith.constant 6 : i32
    %eq3A_145 = arith.cmpi eq, %add3A, %eq3A_144 : i32
    %jit3A_146 = arith.constant 51381 : i32
    %select_n3A_147 = arith.select %eq3A_145, %jit3A_146, %select_n3A_143 : i32
    %eq3A_148 = arith.constant 7 : i32
    %eq3A_149 = arith.cmpi eq, %add3A, %eq3A_148 : i32
    %jit3A_150 = arith.constant 59806 : i32
    %select_n3A_151 = arith.select %eq3A_149, %jit3A_150, %select_n3A_147 : i32
    %eq3A_152 = arith.constant 8 : i32
    %eq3A_153 = arith.cmpi eq, %add3A, %eq3A_152 : i32
    %jit3A_154 = arith.constant 67995 : i32
    %select_n3A_155 = arith.select %eq3A_153, %jit3A_154, %select_n3A_151 : i32
    %eq3A_156 = arith.constant 9 : i32
    %eq3A_157 = arith.cmpi eq, %add3A, %eq3A_156 : i32
    %jit3A_158 = arith.constant 76524 : i32
    %select_n3A_159 = arith.select %eq3A_157, %jit3A_158, %select_n3A_155 : i32
    %eq3A_160 = arith.constant 10 : i32
    %eq3A_161 = arith.cmpi eq, %add3A, %eq3A_160 : i32
    %jit3A_162 = arith.constant 84519 : i32
    %select_n3A_163 = arith.select %eq3A_161, %jit3A_162, %select_n3A_159 : i32
    %eq3A_164 = arith.constant 11 : i32
    %eq3A_165 = arith.cmpi eq, %add3A, %eq3A_164 : i32
    %jit3A_166 = arith.constant 92709 : i32
    %select_n3A_167 = arith.select %eq3A_165, %jit3A_166, %select_n3A_163 : i32
    %eq3A_168 = arith.constant 12 : i32
    %eq3A_169 = arith.cmpi eq, %add3A, %eq3A_168 : i32
    %jit3A_170 = arith.constant 101239 : i32
    %select_n3A_171 = arith.select %eq3A_169, %jit3A_170, %select_n3A_167 : i32
    %eq3A_172 = arith.constant 13 : i32
    %eq3A_173 = arith.cmpi eq, %add3A, %eq3A_172 : i32
    %jit3A_174 = arith.constant 108665 : i32
    %select_n3A_175 = arith.select %eq3A_173, %jit3A_174, %select_n3A_171 : i32
    %eq3A_176 = arith.constant 14 : i32
    %eq3A_177 = arith.cmpi eq, %add3A, %eq3A_176 : i32
    %jit3A_178 = arith.constant 117297 : i32
    %select_n3A_179 = arith.select %eq3A_177, %jit3A_178, %select_n3A_175 : i32
    %eq3A_180 = arith.constant 15 : i32
    %eq3A_181 = arith.cmpi eq, %add3A, %eq3A_180 : i32
    %jit3A_182 = arith.constant 125048 : i32
    %select_n3A_183 = arith.select %eq3A_181, %jit3A_182, %select_n3A_179 : i32
    %eq3A_184 = arith.constant 16 : i32
    %eq3A_185 = arith.cmpi eq, %add3A, %eq3A_184 : i32
    %jit3A_186 = arith.constant 133497 : i32
    %select_n3A_187 = arith.select %eq3A_185, %jit3A_186, %select_n3A_183 : i32
    %eq3A_188 = arith.constant 17 : i32
    %eq3A_189 = arith.cmpi eq, %add3A, %eq3A_188 : i32
    %jit3A_190 = arith.constant 142184 : i32
    %select_n3A_191 = arith.select %eq3A_189, %jit3A_190, %select_n3A_187 : i32
    %eq3A_192 = arith.constant 18 : i32
    %eq3A_193 = arith.cmpi eq, %add3A, %eq3A_192 : i32
    %jit3A_194 = arith.constant 149980 : i32
    %select_n3A_195 = arith.select %eq3A_193, %jit3A_194, %select_n3A_191 : i32
    %eq3A_196 = arith.constant 19 : i32
    %eq3A_197 = arith.cmpi eq, %add3A, %eq3A_196 : i32
    %jit3A_198 = arith.constant 158386 : i32
    %select_n3A_199 = arith.select %eq3A_197, %jit3A_198, %select_n3A_195 : i32
    %eq3A_200 = arith.constant 20 : i32
    %eq3A_201 = arith.cmpi eq, %add3A, %eq3A_200 : i32
    %jit3A_202 = arith.constant 166401 : i32
    %select_n3A_203 = arith.select %eq3A_201, %jit3A_202, %select_n3A_199 : i32
    %eq3A_204 = arith.constant 21 : i32
    %eq3A_205 = arith.cmpi eq, %add3A, %eq3A_204 : i32
    %jit3A_206 = arith.constant 174926 : i32
    %select_n3A_207 = arith.select %eq3A_205, %jit3A_206, %select_n3A_203 : i32
    %eq3A_208 = arith.constant 22 : i32
    %eq3A_209 = arith.cmpi eq, %add3A, %eq3A_208 : i32
    %jit3A_210 = arith.constant 182715 : i32
    %select_n3A_211 = arith.select %eq3A_209, %jit3A_210, %select_n3A_207 : i32
    %eq3A_212 = arith.constant 23 : i32
    %eq3A_213 = arith.cmpi eq, %add3A, %eq3A_212 : i32
    %jit3A_214 = arith.constant 191287 : i32
    %select_n3A_215 = arith.select %eq3A_213, %jit3A_214, %select_n3A_211 : i32
    %eq3A_216 = arith.constant 24 : i32
    %eq3A_217 = arith.cmpi eq, %add3A, %eq3A_216 : i32
    %jit3A_218 = arith.constant 199120 : i32
    %select_n3A_219 = arith.select %eq3A_217, %jit3A_218, %select_n3A_215 : i32
    %eq3A_220 = arith.constant 25 : i32
    %eq3A_221 = arith.cmpi eq, %add3A, %eq3A_220 : i32
    %jit3A_222 = arith.constant 207717 : i32
    %select_n3A_223 = arith.select %eq3A_221, %jit3A_222, %select_n3A_219 : i32
    %eq3A_224 = arith.constant 26 : i32
    %eq3A_225 = arith.cmpi eq, %add3A, %eq3A_224 : i32
    %jit3A_226 = arith.constant 215649 : i32
    %select_n3A_227 = arith.select %eq3A_225, %jit3A_226, %select_n3A_223 : i32
    %eq3A_228 = arith.constant 27 : i32
    %eq3A_229 = arith.cmpi eq, %add3A, %eq3A_228 : i32
    %jit3A_230 = arith.constant 223590 : i32
    %select_n3A_231 = arith.select %eq3A_229, %jit3A_230, %select_n3A_227 : i32
    %eq3A_232 = arith.constant 28 : i32
    %eq3A_233 = arith.cmpi eq, %add3A, %eq3A_232 : i32
    %jit3A_234 = arith.constant 231851 : i32
    %select_n3A_235 = arith.select %eq3A_233, %jit3A_234, %select_n3A_231 : i32
    %eq3A_236 = arith.constant 29 : i32
    %eq3A_237 = arith.cmpi eq, %add3A, %eq3A_236 : i32
    %jit3A_238 = arith.constant 240259 : i32
    %select_n3A_239 = arith.select %eq3A_237, %jit3A_238, %select_n3A_235 : i32
    %eq3A_240 = arith.constant 30 : i32
    %eq3A_241 = arith.cmpi eq, %add3A, %eq3A_240 : i32
    %jit3A_242 = arith.constant 248655 : i32
    %select_n3A_243 = arith.select %eq3A_241, %jit3A_242, %select_n3A_239 : i32
    %eq3A_244 = arith.constant 31 : i32
    %eq3A_245 = arith.cmpi eq, %add3A, %eq3A_244 : i32
    %jit3A_246 = arith.constant 256364 : i32
    %select_n3A_247 = arith.select %eq3A_245, %jit3A_246, %select_n3A_243 : i32
    %eq3A_248 = arith.constant 1 : i32
    %eq3A_249 = arith.cmpi eq, %add3A, %eq3A_248 : i32
    %jit3A_250 = arith.constant 13132 : i32
    %jit3A_251 = arith.constant 4836 : i32
    %select_n3A_252 = arith.select %eq3A_249, %jit3A_250, %jit3A_251 : i32
    %eq3A_253 = arith.constant 2 : i32
    %eq3A_254 = arith.cmpi eq, %add3A, %eq3A_253 : i32
    %jit3A_255 = arith.constant 20753 : i32
    %select_n3A_256 = arith.select %eq3A_254, %jit3A_255, %select_n3A_252 : i32
    %eq3A_257 = arith.constant 3 : i32
    %eq3A_258 = arith.cmpi eq, %add3A, %eq3A_257 : i32
    %jit3A_259 = arith.constant 29235 : i32
    %select_n3A_260 = arith.select %eq3A_258, %jit3A_259, %select_n3A_256 : i32
    %eq3A_261 = arith.constant 4 : i32
    %eq3A_262 = arith.cmpi eq, %add3A, %eq3A_261 : i32
    %jit3A_263 = arith.constant 37357 : i32
    %select_n3A_264 = arith.select %eq3A_262, %jit3A_263, %select_n3A_260 : i32
    %eq3A_265 = arith.constant 5 : i32
    %eq3A_266 = arith.cmpi eq, %add3A, %eq3A_265 : i32
    %jit3A_267 = arith.constant 45904 : i32
    %select_n3A_268 = arith.select %eq3A_266, %jit3A_267, %select_n3A_264 : i32
    %eq3A_269 = arith.constant 6 : i32
    %eq3A_270 = arith.cmpi eq, %add3A, %eq3A_269 : i32
    %jit3A_271 = arith.constant 53484 : i32
    %select_n3A_272 = arith.select %eq3A_270, %jit3A_271, %select_n3A_268 : i32
    %eq3A_273 = arith.constant 7 : i32
    %eq3A_274 = arith.cmpi eq, %add3A, %eq3A_273 : i32
    %jit3A_275 = arith.constant 62069 : i32
    %select_n3A_276 = arith.select %eq3A_274, %jit3A_275, %select_n3A_272 : i32
    %eq3A_277 = arith.constant 8 : i32
    %eq3A_278 = arith.cmpi eq, %add3A, %eq3A_277 : i32
    %jit3A_279 = arith.constant 69936 : i32
    %select_n3A_280 = arith.select %eq3A_278, %jit3A_279, %select_n3A_276 : i32
    %eq3A_281 = arith.constant 9 : i32
    %eq3A_282 = arith.cmpi eq, %add3A, %eq3A_281 : i32
    %jit3A_283 = arith.constant 78546 : i32
    %select_n3A_284 = arith.select %eq3A_282, %jit3A_283, %select_n3A_280 : i32
    %eq3A_285 = arith.constant 10 : i32
    %eq3A_286 = arith.cmpi eq, %add3A, %eq3A_285 : i32
    %jit3A_287 = arith.constant 86653 : i32
    %select_n3A_288 = arith.select %eq3A_286, %jit3A_287, %select_n3A_284 : i32
    %eq3A_289 = arith.constant 11 : i32
    %eq3A_290 = arith.cmpi eq, %add3A, %eq3A_289 : i32
    %jit3A_291 = arith.constant 94864 : i32
    %select_n3A_292 = arith.select %eq3A_290, %jit3A_291, %select_n3A_288 : i32
    %eq3A_293 = arith.constant 12 : i32
    %eq3A_294 = arith.cmpi eq, %add3A, %eq3A_293 : i32
    %jit3A_295 = arith.constant 102992 : i32
    %select_n3A_296 = arith.select %eq3A_294, %jit3A_295, %select_n3A_292 : i32
    %eq3A_297 = arith.constant 13 : i32
    %eq3A_298 = arith.cmpi eq, %add3A, %eq3A_297 : i32
    %jit3A_299 = arith.constant 111023 : i32
    %select_n3A_300 = arith.select %eq3A_298, %jit3A_299, %select_n3A_296 : i32
    %eq3A_301 = arith.constant 14 : i32
    %eq3A_302 = arith.cmpi eq, %add3A, %eq3A_301 : i32
    %jit3A_303 = arith.constant 118894 : i32
    %select_n3A_304 = arith.select %eq3A_302, %jit3A_303, %select_n3A_300 : i32
    %eq3A_305 = arith.constant 15 : i32
    %eq3A_306 = arith.cmpi eq, %add3A, %eq3A_305 : i32
    %jit3A_307 = arith.constant 127438 : i32
    %select_n3A_308 = arith.select %eq3A_306, %jit3A_307, %select_n3A_304 : i32
    %eq3A_309 = arith.constant 16 : i32
    %eq3A_310 = arith.cmpi eq, %add3A, %eq3A_309 : i32
    %jit3A_311 = arith.constant 135928 : i32
    %select_n3A_312 = arith.select %eq3A_310, %jit3A_311, %select_n3A_308 : i32
    %eq3A_313 = arith.constant 17 : i32
    %eq3A_314 = arith.cmpi eq, %add3A, %eq3A_313 : i32
    %jit3A_315 = arith.constant 144162 : i32
    %select_n3A_316 = arith.select %eq3A_314, %jit3A_315, %select_n3A_312 : i32
    %eq3A_317 = arith.constant 18 : i32
    %eq3A_318 = arith.cmpi eq, %add3A, %eq3A_317 : i32
    %jit3A_319 = arith.constant 152003 : i32
    %select_n3A_320 = arith.select %eq3A_318, %jit3A_319, %select_n3A_316 : i32
    %eq3A_321 = arith.constant 19 : i32
    %eq3A_322 = arith.cmpi eq, %add3A, %eq3A_321 : i32
    %jit3A_323 = arith.constant 160005 : i32
    %select_n3A_324 = arith.select %eq3A_322, %jit3A_323, %select_n3A_320 : i32
    %eq3A_325 = arith.constant 20 : i32
    %eq3A_326 = arith.cmpi eq, %add3A, %eq3A_325 : i32
    %jit3A_327 = arith.constant 168809 : i32
    %select_n3A_328 = arith.select %eq3A_326, %jit3A_327, %select_n3A_324 : i32
    %eq3A_329 = arith.constant 21 : i32
    %eq3A_330 = arith.cmpi eq, %add3A, %eq3A_329 : i32
    %jit3A_331 = arith.constant 176310 : i32
    %select_n3A_332 = arith.select %eq3A_330, %jit3A_331, %select_n3A_328 : i32
    %eq3A_333 = arith.constant 22 : i32
    %eq3A_334 = arith.cmpi eq, %add3A, %eq3A_333 : i32
    %jit3A_335 = arith.constant 185001 : i32
    %select_n3A_336 = arith.select %eq3A_334, %jit3A_335, %select_n3A_332 : i32
    %eq3A_337 = arith.constant 23 : i32
    %eq3A_338 = arith.cmpi eq, %add3A, %eq3A_337 : i32
    %jit3A_339 = arith.constant 192758 : i32
    %select_n3A_340 = arith.select %eq3A_338, %jit3A_339, %select_n3A_336 : i32
    %eq3A_341 = arith.constant 24 : i32
    %eq3A_342 = arith.cmpi eq, %add3A, %eq3A_341 : i32
    %jit3A_343 = arith.constant 201570 : i32
    %select_n3A_344 = arith.select %eq3A_342, %jit3A_343, %select_n3A_340 : i32
    %eq3A_345 = arith.constant 25 : i32
    %eq3A_346 = arith.cmpi eq, %add3A, %eq3A_345 : i32
    %jit3A_347 = arith.constant 209555 : i32
    %select_n3A_348 = arith.select %eq3A_346, %jit3A_347, %select_n3A_344 : i32
    %eq3A_349 = arith.constant 26 : i32
    %eq3A_350 = arith.cmpi eq, %add3A, %eq3A_349 : i32
    %jit3A_351 = arith.constant 217771 : i32
    %select_n3A_352 = arith.select %eq3A_350, %jit3A_351, %select_n3A_348 : i32
    %eq3A_353 = arith.constant 27 : i32
    %eq3A_354 = arith.cmpi eq, %add3A, %eq3A_353 : i32
    %jit3A_355 = arith.constant 225452 : i32
    %select_n3A_356 = arith.select %eq3A_354, %jit3A_355, %select_n3A_352 : i32
    %eq3A_357 = arith.constant 28 : i32
    %eq3A_358 = arith.cmpi eq, %add3A, %eq3A_357 : i32
    %jit3A_359 = arith.constant 233610 : i32
    %select_n3A_360 = arith.select %eq3A_358, %jit3A_359, %select_n3A_356 : i32
    %eq3A_361 = arith.constant 29 : i32
    %eq3A_362 = arith.cmpi eq, %add3A, %eq3A_361 : i32
    %jit3A_363 = arith.constant 242534 : i32
    %select_n3A_364 = arith.select %eq3A_362, %jit3A_363, %select_n3A_360 : i32
    %eq3A_365 = arith.constant 30 : i32
    %eq3A_366 = arith.cmpi eq, %add3A, %eq3A_365 : i32
    %jit3A_367 = arith.constant 250459 : i32
    %select_n3A_368 = arith.select %eq3A_366, %jit3A_367, %select_n3A_364 : i32
    %eq3A_369 = arith.constant 31 : i32
    %eq3A_370 = arith.cmpi eq, %add3A, %eq3A_369 : i32
    %jit3A_371 = arith.constant 258153 : i32
    %select_n3A_372 = arith.select %eq3A_370, %jit3A_371, %select_n3A_368 : i32
    %eq3A_373 = arith.constant 1 : i32
    %eq3A_374 = arith.cmpi eq, %add3A, %eq3A_373 : i32
    %jit3A_375 = arith.constant 14939 : i32
    %jit3A_376 = arith.constant 6383 : i32
    %select_n3A_377 = arith.select %eq3A_374, %jit3A_375, %jit3A_376 : i32
    %eq3A_378 = arith.constant 2 : i32
    %eq3A_379 = arith.cmpi eq, %add3A, %eq3A_378 : i32
    %jit3A_380 = arith.constant 22899 : i32
    %select_n3A_381 = arith.select %eq3A_379, %jit3A_380, %select_n3A_377 : i32
    %eq3A_382 = arith.constant 3 : i32
    %eq3A_383 = arith.cmpi eq, %add3A, %eq3A_382 : i32
    %jit3A_384 = arith.constant 31067 : i32
    %select_n3A_385 = arith.select %eq3A_383, %jit3A_384, %select_n3A_381 : i32
    %eq3A_386 = arith.constant 4 : i32
    %eq3A_387 = arith.cmpi eq, %add3A, %eq3A_386 : i32
    %jit3A_388 = arith.constant 39569 : i32
    %select_n3A_389 = arith.select %eq3A_387, %jit3A_388, %select_n3A_385 : i32
    %eq3A_390 = arith.constant 5 : i32
    %eq3A_391 = arith.cmpi eq, %add3A, %eq3A_390 : i32
    %jit3A_392 = arith.constant 47702 : i32
    %select_n3A_393 = arith.select %eq3A_391, %jit3A_392, %select_n3A_389 : i32
    %eq3A_394 = arith.constant 6 : i32
    %eq3A_395 = arith.cmpi eq, %add3A, %eq3A_394 : i32
    %jit3A_396 = arith.constant 55784 : i32
    %select_n3A_397 = arith.select %eq3A_395, %jit3A_396, %select_n3A_393 : i32
    %eq3A_398 = arith.constant 7 : i32
    %eq3A_399 = arith.cmpi eq, %add3A, %eq3A_398 : i32
    %jit3A_400 = arith.constant 63896 : i32
    %select_n3A_401 = arith.select %eq3A_399, %jit3A_400, %select_n3A_397 : i32
    %eq3A_402 = arith.constant 8 : i32
    %eq3A_403 = arith.cmpi eq, %add3A, %eq3A_402 : i32
    %jit3A_404 = arith.constant 72039 : i32
    %select_n3A_405 = arith.select %eq3A_403, %jit3A_404, %select_n3A_401 : i32
    %eq3A_406 = arith.constant 9 : i32
    %eq3A_407 = arith.cmpi eq, %add3A, %eq3A_406 : i32
    %jit3A_408 = arith.constant 80398 : i32
    %select_n3A_409 = arith.select %eq3A_407, %jit3A_408, %select_n3A_405 : i32
    %eq3A_410 = arith.constant 10 : i32
    %eq3A_411 = arith.cmpi eq, %add3A, %eq3A_410 : i32
    %jit3A_412 = arith.constant 88230 : i32
    %select_n3A_413 = arith.select %eq3A_411, %jit3A_412, %select_n3A_409 : i32
    %eq3A_414 = arith.constant 11 : i32
    %eq3A_415 = arith.cmpi eq, %add3A, %eq3A_414 : i32
    %jit3A_416 = arith.constant 96664 : i32
    %select_n3A_417 = arith.select %eq3A_415, %jit3A_416, %select_n3A_413 : i32
    %eq3A_418 = arith.constant 12 : i32
    %eq3A_419 = arith.cmpi eq, %add3A, %eq3A_418 : i32
    %jit3A_420 = arith.constant 104586 : i32
    %select_n3A_421 = arith.select %eq3A_419, %jit3A_420, %select_n3A_417 : i32
    %eq3A_422 = arith.constant 13 : i32
    %eq3A_423 = arith.cmpi eq, %add3A, %eq3A_422 : i32
    %jit3A_424 = arith.constant 113356 : i32
    %select_n3A_425 = arith.select %eq3A_423, %jit3A_424, %select_n3A_421 : i32
    %eq3A_426 = arith.constant 14 : i32
    %eq3A_427 = arith.cmpi eq, %add3A, %eq3A_426 : i32
    %jit3A_428 = arith.constant 120991 : i32
    %select_n3A_429 = arith.select %eq3A_427, %jit3A_428, %select_n3A_425 : i32
    %eq3A_430 = arith.constant 15 : i32
    %eq3A_431 = arith.cmpi eq, %add3A, %eq3A_430 : i32
    %jit3A_432 = arith.constant 129857 : i32
    %select_n3A_433 = arith.select %eq3A_431, %jit3A_432, %select_n3A_429 : i32
    %eq3A_434 = arith.constant 16 : i32
    %eq3A_435 = arith.cmpi eq, %add3A, %eq3A_434 : i32
    %jit3A_436 = arith.constant 137927 : i32
    %select_n3A_437 = arith.select %eq3A_435, %jit3A_436, %select_n3A_433 : i32
    %eq3A_438 = arith.constant 17 : i32
    %eq3A_439 = arith.cmpi eq, %add3A, %eq3A_438 : i32
    %jit3A_440 = arith.constant 145629 : i32
    %select_n3A_441 = arith.select %eq3A_439, %jit3A_440, %select_n3A_437 : i32
    %eq3A_442 = arith.constant 18 : i32
    %eq3A_443 = arith.cmpi eq, %add3A, %eq3A_442 : i32
    %jit3A_444 = arith.constant 153850 : i32
    %select_n3A_445 = arith.select %eq3A_443, %jit3A_444, %select_n3A_441 : i32
    %eq3A_446 = arith.constant 19 : i32
    %eq3A_447 = arith.cmpi eq, %add3A, %eq3A_446 : i32
    %jit3A_448 = arith.constant 162535 : i32
    %select_n3A_449 = arith.select %eq3A_447, %jit3A_448, %select_n3A_445 : i32
    %eq3A_450 = arith.constant 20 : i32
    %eq3A_451 = arith.cmpi eq, %add3A, %eq3A_450 : i32
    %jit3A_452 = arith.constant 170358 : i32
    %select_n3A_453 = arith.select %eq3A_451, %jit3A_452, %select_n3A_449 : i32
    %eq3A_454 = arith.constant 21 : i32
    %eq3A_455 = arith.cmpi eq, %add3A, %eq3A_454 : i32
    %jit3A_456 = arith.constant 179064 : i32
    %select_n3A_457 = arith.select %eq3A_455, %jit3A_456, %select_n3A_453 : i32
    %eq3A_458 = arith.constant 22 : i32
    %eq3A_459 = arith.cmpi eq, %add3A, %eq3A_458 : i32
    %jit3A_460 = arith.constant 186653 : i32
    %select_n3A_461 = arith.select %eq3A_459, %jit3A_460, %select_n3A_457 : i32
    %eq3A_462 = arith.constant 23 : i32
    %eq3A_463 = arith.cmpi eq, %add3A, %eq3A_462 : i32
    %jit3A_464 = arith.constant 195350 : i32
    %select_n3A_465 = arith.select %eq3A_463, %jit3A_464, %select_n3A_461 : i32
    %eq3A_466 = arith.constant 24 : i32
    %eq3A_467 = arith.cmpi eq, %add3A, %eq3A_466 : i32
    %jit3A_468 = arith.constant 203100 : i32
    %select_n3A_469 = arith.select %eq3A_467, %jit3A_468, %select_n3A_465 : i32
    %eq3A_470 = arith.constant 25 : i32
    %eq3A_471 = arith.cmpi eq, %add3A, %eq3A_470 : i32
    %jit3A_472 = arith.constant 211508 : i32
    %select_n3A_473 = arith.select %eq3A_471, %jit3A_472, %select_n3A_469 : i32
    %eq3A_474 = arith.constant 26 : i32
    %eq3A_475 = arith.cmpi eq, %add3A, %eq3A_474 : i32
    %jit3A_476 = arith.constant 219380 : i32
    %select_n3A_477 = arith.select %eq3A_475, %jit3A_476, %select_n3A_473 : i32
    %eq3A_478 = arith.constant 27 : i32
    %eq3A_479 = arith.cmpi eq, %add3A, %eq3A_478 : i32
    %jit3A_480 = arith.constant 228135 : i32
    %select_n3A_481 = arith.select %eq3A_479, %jit3A_480, %select_n3A_477 : i32
    %eq3A_482 = arith.constant 28 : i32
    %eq3A_483 = arith.cmpi eq, %add3A, %eq3A_482 : i32
    %jit3A_484 = arith.constant 236147 : i32
    %select_n3A_485 = arith.select %eq3A_483, %jit3A_484, %select_n3A_481 : i32
    %eq3A_486 = arith.constant 29 : i32
    %eq3A_487 = arith.cmpi eq, %add3A, %eq3A_486 : i32
    %jit3A_488 = arith.constant 244620 : i32
    %select_n3A_489 = arith.select %eq3A_487, %jit3A_488, %select_n3A_485 : i32
    %eq3A_490 = arith.constant 30 : i32
    %eq3A_491 = arith.cmpi eq, %add3A, %eq3A_490 : i32
    %jit3A_492 = arith.constant 252209 : i32
    %select_n3A_493 = arith.select %eq3A_491, %jit3A_492, %select_n3A_489 : i32
    %eq3A_494 = arith.constant 31 : i32
    %eq3A_495 = arith.cmpi eq, %add3A, %eq3A_494 : i32
    %jit3A_496 = arith.constant 260470 : i32
    %select_n3A_497 = arith.select %eq3A_495, %jit3A_496, %select_n3A_493 : i32
    %add3A_498 = arith.constant 0 : i32
    %add3A_499 = arith.addi %select_n3A_122, %add3A_498 : i32
    %dma_start3A = arith.constant 0 : i32
    %dma_start3A_500 = arith.constant 0 : i32
    %dma_start3A_501 = tpu.memref_slice %arg5[%dma_start3A, %dma_start3A_500] : memref<448x128xf32, #tpu.memory_space<vmem>> -> memref<448x128xf32, #tpu.memory_space<vmem>>
    %dma_start3A_502 = arith.constant 0 : i32
    %dma_start3A_503 = tpu.memref_slice %arg2[%add3A_499, %dma_start3A_502] : memref<262144x128xf32, #tpu.memory_space<hbm>> -> memref<448x128xf32, #tpu.memory_space<hbm>>
    %dma_start3A_504 = arith.constant 0 : i32
    %dma_start3A_505 = arith.constant 0 : i32
    %dma_start3A_506 = tpu.memref_slice %arg5[%dma_start3A_504, %dma_start3A_505] : memref<448x128xf32, #tpu.memory_space<vmem>> -> memref<448x128xf32, #tpu.memory_space<vmem>>
    %dma_start3A_507 = arith.constant 0 : i32
    %dma_start3A_508 = tpu.memref_slice %arg2[%add3A_499, %dma_start3A_507] : memref<262144x128xf32, #tpu.memory_space<hbm>> -> memref<448x128xf32, #tpu.memory_space<hbm>>
    tpu.enqueue_dma source(%dma_start3A_508 : memref<448x128xf32, #tpu.memory_space<hbm>>) target(%dma_start3A_506 : memref<448x128xf32, #tpu.memory_space<vmem>>) target_semaphore(%arg7 : memref<!tpu.dma_semaphore, #tpu.memory_space<semaphore_mem>>)
    %add3A_509 = arith.constant 0 : i32
    %add3A_510 = arith.addi %select_n3A_122, %add3A_509 : i32
    %dma_wait3A = arith.constant 0 : i32
    %dma_wait3A_511 = arith.constant 0 : i32
    %dma_wait3A_512 = tpu.memref_slice %arg5[%dma_wait3A, %dma_wait3A_511] : memref<448x128xf32, #tpu.memory_space<vmem>> -> memref<448x128xf32, #tpu.memory_space<vmem>>
    %dma_wait3A_513 = arith.constant 0 : i32
    %dma_wait3A_514 = tpu.memref_slice %arg2[%add3A_510, %dma_wait3A_513] : memref<262144x128xf32, #tpu.memory_space<hbm>> -> memref<448x128xf32, #tpu.memory_space<hbm>>
    %dma_wait3A_515 = arith.constant 0 : i32
    %dma_wait3A_516 = arith.constant 0 : i32
    %dma_wait3A_517 = tpu.memref_slice %arg5[%dma_wait3A_515, %dma_wait3A_516] : memref<448x128xf32, #tpu.memory_space<vmem>> -> memref<448x128xf32, #tpu.memory_space<vmem>>
    %dma_wait3A_518 = arith.constant 0 : i32
    %dma_wait3A_519 = tpu.memref_slice %arg2[%add3A_510, %dma_wait3A_518] : memref<262144x128xf32, #tpu.memory_space<hbm>> -> memref<448x128xf32, #tpu.memory_space<hbm>>
    tpu.wait_dma2 semaphore(%arg7 : memref<!tpu.dma_semaphore, #tpu.memory_space<semaphore_mem>>) src(%dma_wait3A_519 : memref<448x128xf32, #tpu.memory_space<hbm>>) dst(%dma_wait3A_517 : memref<448x128xf32, #tpu.memory_space<vmem>>)
    %add3A_520 = arith.constant 448 : i32
    %add3A_521 = arith.addi %select_n3A_122, %add3A_520 : i32
    %dma_start3A_522 = arith.constant 0 : i32
    %dma_start3A_523 = arith.constant 0 : i32
    %dma_start3A_524 = tpu.memref_slice %arg6[%dma_start3A_522, %dma_start3A_523] : memref<448x128xf32, #tpu.memory_space<vmem>> -> memref<448x128xf32, #tpu.memory_space<vmem>>
    %dma_start3A_525 = arith.constant 0 : i32
    %dma_start3A_526 = tpu.memref_slice %arg2[%add3A_521, %dma_start3A_525] : memref<262144x128xf32, #tpu.memory_space<hbm>> -> memref<448x128xf32, #tpu.memory_space<hbm>>
    %dma_start3A_527 = arith.constant 0 : i32
    %dma_start3A_528 = arith.constant 0 : i32
    %dma_start3A_529 = tpu.memref_slice %arg6[%dma_start3A_527, %dma_start3A_528] : memref<448x128xf32, #tpu.memory_space<vmem>> -> memref<448x128xf32, #tpu.memory_space<vmem>>
    %dma_start3A_530 = arith.constant 0 : i32
    %dma_start3A_531 = tpu.memref_slice %arg2[%add3A_521, %dma_start3A_530] : memref<262144x128xf32, #tpu.memory_space<hbm>> -> memref<448x128xf32, #tpu.memory_space<hbm>>
    tpu.enqueue_dma source(%dma_start3A_531 : memref<448x128xf32, #tpu.memory_space<hbm>>) target(%dma_start3A_529 : memref<448x128xf32, #tpu.memory_space<vmem>>) target_semaphore(%arg8 : memref<!tpu.dma_semaphore, #tpu.memory_space<semaphore_mem>>)
    %mul3A_532 = arith.constant 4 : i32
    %mul3A_533 = arith.muli %add3A, %mul3A_532 : i32
    %add3A_534 = arith.constant 0 : i32
    %add3A_535 = arith.addi %mul3A_533, %add3A_534 : i32
    "tpu.region"() ({
      %run_scoped3A = tpu.sem_alloc : memref<!tpu.dma_semaphore, #tpu.memory_space<semaphore_mem>>
      %dma_start3A_880 = arith.constant 0 : i32
      %dma_start3A_881 = arith.constant 0 : i32
      %dma_start3A_882 = tpu.memref_slice %arg5[%dma_start3A_880, %dma_start3A_881] : memref<448x128xf32, #tpu.memory_space<vmem>> -> memref<448x128xf32, #tpu.memory_space<vmem>>
      %dma_start3A_883 = arith.constant 0 : i32
      %dma_start3A_884 = arith.constant 0 : i32
      %dma_start3A_885 = tpu.memref_slice %arg3[%dma_start3A_883, %add3A_535, %dma_start3A_884] : memref<1063x128x128xf32, #tpu.memory_space<hbm>> -> memref<448x1x128xf32, #tpu.memory_space<hbm>>
      %dma_start3A_886 = tpu.memref_squeeze %dma_start3A_885 : memref<448x1x128xf32, #tpu.memory_space<hbm>> -> memref<448x128xf32, #tpu.memory_space<hbm>>
      %dma_start3A_887 = arith.constant 0 : i32
      %dma_start3A_888 = arith.constant 0 : i32
      %dma_start3A_889 = tpu.memref_slice %arg3[%dma_start3A_887, %add3A_535, %dma_start3A_888] : memref<1063x128x128xf32, #tpu.memory_space<hbm>> -> memref<448x1x128xf32, #tpu.memory_space<hbm>>
      %dma_start3A_890 = tpu.memref_squeeze %dma_start3A_889 : memref<448x1x128xf32, #tpu.memory_space<hbm>> -> memref<448x128xf32, #tpu.memory_space<hbm>>
      %dma_start3A_891 = arith.constant 0 : i32
      %dma_start3A_892 = arith.constant 0 : i32
      %dma_start3A_893 = tpu.memref_slice %arg5[%dma_start3A_891, %dma_start3A_892] : memref<448x128xf32, #tpu.memory_space<vmem>> -> memref<448x128xf32, #tpu.memory_space<vmem>>
      tpu.enqueue_dma source(%dma_start3A_893 : memref<448x128xf32, #tpu.memory_space<vmem>>) target(%dma_start3A_890 : memref<448x128xf32, #tpu.memory_space<hbm>>) target_semaphore(%run_scoped3A : memref<!tpu.dma_semaphore, #tpu.memory_space<semaphore_mem>>)
      %dma_wait3A_894 = arith.constant 0 : i32
      %dma_wait3A_895 = arith.constant 0 : i32
      %dma_wait3A_896 = tpu.memref_slice %arg5[%dma_wait3A_894, %dma_wait3A_895] : memref<448x128xf32, #tpu.memory_space<vmem>> -> memref<448x128xf32, #tpu.memory_space<vmem>>
      %dma_wait3A_897 = arith.constant 0 : i32
      %dma_wait3A_898 = arith.constant 0 : i32
      %dma_wait3A_899 = tpu.memref_slice %arg3[%dma_wait3A_897, %add3A_535, %dma_wait3A_898] : memref<1063x128x128xf32, #tpu.memory_space<hbm>> -> memref<448x1x128xf32, #tpu.memory_space<hbm>>
      %dma_wait3A_900 = tpu.memref_squeeze %dma_wait3A_899 : memref<448x1x128xf32, #tpu.memory_space<hbm>> -> memref<448x128xf32, #tpu.memory_space<hbm>>
      %dma_wait3A_901 = arith.constant 0 : i32
      %dma_wait3A_902 = arith.constant 0 : i32
      %dma_wait3A_903 = tpu.memref_slice %arg3[%dma_wait3A_901, %add3A_535, %dma_wait3A_902] : memref<1063x128x128xf32, #tpu.memory_space<hbm>> -> memref<448x1x128xf32, #tpu.memory_space<hbm>>
      %dma_wait3A_904 = tpu.memref_squeeze %dma_wait3A_903 : memref<448x1x128xf32, #tpu.memory_space<hbm>> -> memref<448x128xf32, #tpu.memory_space<hbm>>
      %dma_wait3A_905 = arith.constant 0 : i32
      %dma_wait3A_906 = arith.constant 0 : i32
      %dma_wait3A_907 = tpu.memref_slice %arg5[%dma_wait3A_905, %dma_wait3A_906] : memref<448x128xf32, #tpu.memory_space<vmem>> -> memref<448x128xf32, #tpu.memory_space<vmem>>
      tpu.wait_dma2 semaphore(%run_scoped3A : memref<!tpu.dma_semaphore, #tpu.memory_space<semaphore_mem>>) src(%dma_wait3A_907 : memref<448x128xf32, #tpu.memory_space<vmem>>) dst(%dma_wait3A_904 : memref<448x128xf32, #tpu.memory_space<hbm>>)
      tpu.yield
    }) : () -> ()
    %mul3A_536 = arith.constant 4 : i32
    %mul3A_537 = arith.muli %add3A, %mul3A_536 : i32
    %add3A_538 = arith.constant 0 : i32
    %add3A_539 = arith.addi %mul3A_537, %add3A_538 : i32
    "tpu.region"() ({
      %run_scoped3A = tpu.sem_alloc : memref<!tpu.dma_semaphore, #tpu.memory_space<semaphore_mem>>
      %dma_start3A_880 = arith.constant 0 : i32
      %dma_start3A_881 = arith.constant 0 : i32
      %dma_start3A_882 = tpu.memref_slice %arg5[%dma_start3A_880, %dma_start3A_881] : memref<448x128xf32, #tpu.memory_space<vmem>> -> memref<448x128xf32, #tpu.memory_space<vmem>>
      %dma_start3A_883 = arith.constant 0 : i32
      %dma_start3A_884 = arith.constant 0 : i32
      %dma_start3A_885 = tpu.memref_slice %arg4[%dma_start3A_883, %add3A_539, %dma_start3A_884] : memref<1063x128x128xf32, #tpu.memory_space<hbm>> -> memref<448x1x128xf32, #tpu.memory_space<hbm>>
      %dma_start3A_886 = tpu.memref_squeeze %dma_start3A_885 : memref<448x1x128xf32, #tpu.memory_space<hbm>> -> memref<448x128xf32, #tpu.memory_space<hbm>>
      %dma_start3A_887 = arith.constant 0 : i32
      %dma_start3A_888 = arith.constant 0 : i32
      %dma_start3A_889 = tpu.memref_slice %arg4[%dma_start3A_887, %add3A_539, %dma_start3A_888] : memref<1063x128x128xf32, #tpu.memory_space<hbm>> -> memref<448x1x128xf32, #tpu.memory_space<hbm>>
      %dma_start3A_890 = tpu.memref_squeeze %dma_start3A_889 : memref<448x1x128xf32, #tpu.memory_space<hbm>> -> memref<448x128xf32, #tpu.memory_space<hbm>>
      %dma_start3A_891 = arith.constant 0 : i32
      %dma_start3A_892 = arith.constant 0 : i32
      %dma_start3A_893 = tpu.memref_slice %arg5[%dma_start3A_891, %dma_start3A_892] : memref<448x128xf32, #tpu.memory_space<vmem>> -> memref<448x128xf32, #tpu.memory_space<vmem>>
      tpu.enqueue_dma source(%dma_start3A_893 : memref<448x128xf32, #tpu.memory_space<vmem>>) target(%dma_start3A_890 : memref<448x128xf32, #tpu.memory_space<hbm>>) target_semaphore(%run_scoped3A : memref<!tpu.dma_semaphore, #tpu.memory_space<semaphore_mem>>)
      %dma_wait3A_894 = arith.constant 0 : i32
      %dma_wait3A_895 = arith.constant 0 : i32
      %dma_wait3A_896 = tpu.memref_slice %arg5[%dma_wait3A_894, %dma_wait3A_895] : memref<448x128xf32, #tpu.memory_space<vmem>> -> memref<448x128xf32, #tpu.memory_space<vmem>>
      %dma_wait3A_897 = arith.constant 0 : i32
      %dma_wait3A_898 = arith.constant 0 : i32
      %dma_wait3A_899 = tpu.memref_slice %arg4[%dma_wait3A_897, %add3A_539, %dma_wait3A_898] : memref<1063x128x128xf32, #tpu.memory_space<hbm>> -> memref<448x1x128xf32, #tpu.memory_space<hbm>>
      %dma_wait3A_900 = tpu.memref_squeeze %dma_wait3A_899 : memref<448x1x128xf32, #tpu.memory_space<hbm>> -> memref<448x128xf32, #tpu.memory_space<hbm>>
      %dma_wait3A_901 = arith.constant 0 : i32
      %dma_wait3A_902 = arith.constant 0 : i32
      %dma_wait3A_903 = tpu.memref_slice %arg4[%dma_wait3A_901, %add3A_539, %dma_wait3A_902] : memref<1063x128x128xf32, #tpu.memory_space<hbm>> -> memref<448x1x128xf32, #tpu.memory_space<hbm>>
      %dma_wait3A_904 = tpu.memref_squeeze %dma_wait3A_903 : memref<448x1x128xf32, #tpu.memory_space<hbm>> -> memref<448x128xf32, #tpu.memory_space<hbm>>
      %dma_wait3A_905 = arith.constant 0 : i32
      %dma_wait3A_906 = arith.constant 0 : i32
      %dma_wait3A_907 = tpu.memref_slice %arg5[%dma_wait3A_905, %dma_wait3A_906] : memref<448x128xf32, #tpu.memory_space<vmem>> -> memref<448x128xf32, #tpu.memory_space<vmem>>
      tpu.wait_dma2 semaphore(%run_scoped3A : memref<!tpu.dma_semaphore, #tpu.memory_space<semaphore_mem>>) src(%dma_wait3A_907 : memref<448x128xf32, #tpu.memory_space<vmem>>) dst(%dma_wait3A_904 : memref<448x128xf32, #tpu.memory_space<hbm>>)
      tpu.yield
    }) : () -> ()
    %add3A_540 = arith.constant 448 : i32
    %add3A_541 = arith.addi %select_n3A_122, %add3A_540 : i32
    %dma_wait3A_542 = arith.constant 0 : i32
    %dma_wait3A_543 = arith.constant 0 : i32
    %dma_wait3A_544 = tpu.memref_slice %arg6[%dma_wait3A_542, %dma_wait3A_543] : memref<448x128xf32, #tpu.memory_space<vmem>> -> memref<448x128xf32, #tpu.memory_space<vmem>>
    %dma_wait3A_545 = arith.constant 0 : i32
    %dma_wait3A_546 = tpu.memref_slice %arg2[%add3A_541, %dma_wait3A_545] : memref<262144x128xf32, #tpu.memory_space<hbm>> -> memref<448x128xf32, #tpu.memory_space<hbm>>
    %dma_wait3A_547 = arith.constant 0 : i32
    %dma_wait3A_548 = arith.constant 0 : i32
    %dma_wait3A_549 = tpu.memref_slice %arg6[%dma_wait3A_547, %dma_wait3A_548] : memref<448x128xf32, #tpu.memory_space<vmem>> -> memref<448x128xf32, #tpu.memory_space<vmem>>
    %dma_wait3A_550 = arith.constant 0 : i32
    %dma_wait3A_551 = tpu.memref_slice %arg2[%add3A_541, %dma_wait3A_550] : memref<262144x128xf32, #tpu.memory_space<hbm>> -> memref<448x128xf32, #tpu.memory_space<hbm>>
    tpu.wait_dma2 semaphore(%arg8 : memref<!tpu.dma_semaphore, #tpu.memory_space<semaphore_mem>>) src(%dma_wait3A_551 : memref<448x128xf32, #tpu.memory_space<hbm>>) dst(%dma_wait3A_549 : memref<448x128xf32, #tpu.memory_space<vmem>>)
    %add3A_552 = arith.constant 895 : i32
    %add3A_553 = arith.addi %select_n3A_122, %add3A_552 : i32
    %dma_start3A_554 = arith.constant 0 : i32
    %dma_start3A_555 = arith.constant 0 : i32
    %dma_start3A_556 = tpu.memref_slice %arg5[%dma_start3A_554, %dma_start3A_555] : memref<448x128xf32, #tpu.memory_space<vmem>> -> memref<168x128xf32, #tpu.memory_space<vmem>>
    %dma_start3A_557 = arith.constant 0 : i32
    %dma_start3A_558 = tpu.memref_slice %arg2[%add3A_553, %dma_start3A_557] : memref<262144x128xf32, #tpu.memory_space<hbm>> -> memref<168x128xf32, #tpu.memory_space<hbm>>
    %dma_start3A_559 = arith.constant 0 : i32
    %dma_start3A_560 = arith.constant 0 : i32
    %dma_start3A_561 = tpu.memref_slice %arg5[%dma_start3A_559, %dma_start3A_560] : memref<448x128xf32, #tpu.memory_space<vmem>> -> memref<168x128xf32, #tpu.memory_space<vmem>>
    %dma_start3A_562 = arith.constant 0 : i32
    %dma_start3A_563 = tpu.memref_slice %arg2[%add3A_553, %dma_start3A_562] : memref<262144x128xf32, #tpu.memory_space<hbm>> -> memref<168x128xf32, #tpu.memory_space<hbm>>
    tpu.enqueue_dma source(%dma_start3A_563 : memref<168x128xf32, #tpu.memory_space<hbm>>) target(%dma_start3A_561 : memref<168x128xf32, #tpu.memory_space<vmem>>) target_semaphore(%arg7 : memref<!tpu.dma_semaphore, #tpu.memory_space<semaphore_mem>>)
    %mul3A_564 = arith.constant 4 : i32
    %mul3A_565 = arith.muli %add3A, %mul3A_564 : i32
    %add3A_566 = arith.constant 0 : i32
    %add3A_567 = arith.addi %mul3A_565, %add3A_566 : i32
    "tpu.region"() ({
      %run_scoped3A = tpu.sem_alloc : memref<!tpu.dma_semaphore, #tpu.memory_space<semaphore_mem>>
      %dma_start3A_880 = arith.constant 0 : i32
      %dma_start3A_881 = arith.constant 0 : i32
      %dma_start3A_882 = tpu.memref_slice %arg6[%dma_start3A_880, %dma_start3A_881] : memref<448x128xf32, #tpu.memory_space<vmem>> -> memref<448x128xf32, #tpu.memory_space<vmem>>
      %dma_start3A_883 = arith.constant 448 : i32
      %dma_start3A_884 = arith.constant 0 : i32
      %dma_start3A_885 = tpu.memref_slice %arg3[%dma_start3A_883, %add3A_567, %dma_start3A_884] : memref<1063x128x128xf32, #tpu.memory_space<hbm>> -> memref<448x1x128xf32, #tpu.memory_space<hbm>>
      %dma_start3A_886 = tpu.memref_squeeze %dma_start3A_885 : memref<448x1x128xf32, #tpu.memory_space<hbm>> -> memref<448x128xf32, #tpu.memory_space<hbm>>
      %dma_start3A_887 = arith.constant 448 : i32
      %dma_start3A_888 = arith.constant 0 : i32
      %dma_start3A_889 = tpu.memref_slice %arg3[%dma_start3A_887, %add3A_567, %dma_start3A_888] : memref<1063x128x128xf32, #tpu.memory_space<hbm>> -> memref<448x1x128xf32, #tpu.memory_space<hbm>>
      %dma_start3A_890 = tpu.memref_squeeze %dma_start3A_889 : memref<448x1x128xf32, #tpu.memory_space<hbm>> -> memref<448x128xf32, #tpu.memory_space<hbm>>
      %dma_start3A_891 = arith.constant 0 : i32
      %dma_start3A_892 = arith.constant 0 : i32
      %dma_start3A_893 = tpu.memref_slice %arg6[%dma_start3A_891, %dma_start3A_892] : memref<448x128xf32, #tpu.memory_space<vmem>> -> memref<448x128xf32, #tpu.memory_space<vmem>>
      tpu.enqueue_dma source(%dma_start3A_893 : memref<448x128xf32, #tpu.memory_space<vmem>>) target(%dma_start3A_890 : memref<448x128xf32, #tpu.memory_space<hbm>>) target_semaphore(%run_scoped3A : memref<!tpu.dma_semaphore, #tpu.memory_space<semaphore_mem>>)
      %dma_wait3A_894 = arith.constant 0 : i32
      %dma_wait3A_895 = arith.constant 0 : i32
      %dma_wait3A_896 = tpu.memref_slice %arg6[%dma_wait3A_894, %dma_wait3A_895] : memref<448x128xf32, #tpu.memory_space<vmem>> -> memref<448x128xf32, #tpu.memory_space<vmem>>
      %dma_wait3A_897 = arith.constant 448 : i32
      %dma_wait3A_898 = arith.constant 0 : i32
      %dma_wait3A_899 = tpu.memref_slice %arg3[%dma_wait3A_897, %add3A_567, %dma_wait3A_898] : memref<1063x128x128xf32, #tpu.memory_space<hbm>> -> memref<448x1x128xf32, #tpu.memory_space<hbm>>
      %dma_wait3A_900 = tpu.memref_squeeze %dma_wait3A_899 : memref<448x1x128xf32, #tpu.memory_space<hbm>> -> memref<448x128xf32, #tpu.memory_space<hbm>>
      %dma_wait3A_901 = arith.constant 448 : i32
      %dma_wait3A_902 = arith.constant 0 : i32
      %dma_wait3A_903 = tpu.memref_slice %arg3[%dma_wait3A_901, %add3A_567, %dma_wait3A_902] : memref<1063x128x128xf32, #tpu.memory_space<hbm>> -> memref<448x1x128xf32, #tpu.memory_space<hbm>>
      %dma_wait3A_904 = tpu.memref_squeeze %dma_wait3A_903 : memref<448x1x128xf32, #tpu.memory_space<hbm>> -> memref<448x128xf32, #tpu.memory_space<hbm>>
      %dma_wait3A_905 = arith.constant 0 : i32
      %dma_wait3A_906 = arith.constant 0 : i32
      %dma_wait3A_907 = tpu.memref_slice %arg6[%dma_wait3A_905, %dma_wait3A_906] : memref<448x128xf32, #tpu.memory_space<vmem>> -> memref<448x128xf32, #tpu.memory_space<vmem>>
      tpu.wait_dma2 semaphore(%run_scoped3A : memref<!tpu.dma_semaphore, #tpu.memory_space<semaphore_mem>>) src(%dma_wait3A_907 : memref<448x128xf32, #tpu.memory_space<vmem>>) dst(%dma_wait3A_904 : memref<448x128xf32, #tpu.memory_space<hbm>>)
      tpu.yield
    }) : () -> ()
    %mul3A_568 = arith.constant 4 : i32
    %mul3A_569 = arith.muli %add3A, %mul3A_568 : i32
    %add3A_570 = arith.constant 0 : i32
    %add3A_571 = arith.addi %mul3A_569, %add3A_570 : i32
    "tpu.region"() ({
      %run_scoped3A = tpu.sem_alloc : memref<!tpu.dma_semaphore, #tpu.memory_space<semaphore_mem>>
      %dma_start3A_880 = arith.constant 0 : i32
      %dma_start3A_881 = arith.constant 0 : i32
      %dma_start3A_882 = tpu.memref_slice %arg6[%dma_start3A_880, %dma_start3A_881] : memref<448x128xf32, #tpu.memory_space<vmem>> -> memref<448x128xf32, #tpu.memory_space<vmem>>
      %dma_start3A_883 = arith.constant 448 : i32
      %dma_start3A_884 = arith.constant 0 : i32
      %dma_start3A_885 = tpu.memref_slice %arg4[%dma_start3A_883, %add3A_571, %dma_start3A_884] : memref<1063x128x128xf32, #tpu.memory_space<hbm>> -> memref<448x1x128xf32, #tpu.memory_space<hbm>>
      %dma_start3A_886 = tpu.memref_squeeze %dma_start3A_885 : memref<448x1x128xf32, #tpu.memory_space<hbm>> -> memref<448x128xf32, #tpu.memory_space<hbm>>
      %dma_start3A_887 = arith.constant 448 : i32
      %dma_start3A_888 = arith.constant 0 : i32
      %dma_start3A_889 = tpu.memref_slice %arg4[%dma_start3A_887, %add3A_571, %dma_start3A_888] : memref<1063x128x128xf32, #tpu.memory_space<hbm>> -> memref<448x1x128xf32, #tpu.memory_space<hbm>>
      %dma_start3A_890 = tpu.memref_squeeze %dma_start3A_889 : memref<448x1x128xf32, #tpu.memory_space<hbm>> -> memref<448x128xf32, #tpu.memory_space<hbm>>
      %dma_start3A_891 = arith.constant 0 : i32
      %dma_start3A_892 = arith.constant 0 : i32
      %dma_start3A_893 = tpu.memref_slice %arg6[%dma_start3A_891, %dma_start3A_892] : memref<448x128xf32, #tpu.memory_space<vmem>> -> memref<448x128xf32, #tpu.memory_space<vmem>>
      tpu.enqueue_dma source(%dma_start3A_893 : memref<448x128xf32, #tpu.memory_space<vmem>>) target(%dma_start3A_890 : memref<448x128xf32, #tpu.memory_space<hbm>>) target_semaphore(%run_scoped3A : memref<!tpu.dma_semaphore, #tpu.memory_space<semaphore_mem>>)
      %dma_wait3A_894 = arith.constant 0 : i32
      %dma_wait3A_895 = arith.constant 0 : i32
      %dma_wait3A_896 = tpu.memref_slice %arg6[%dma_wait3A_894, %dma_wait3A_895] : memref<448x128xf32, #tpu.memory_space<vmem>> -> memref<448x128xf32, #tpu.memory_space<vmem>>
      %dma_wait3A_897 = arith.constant 448 : i32
      %dma_wait3A_898 = arith.constant 0 : i32
      %dma_wait3A_899 = tpu.memref_slice %arg4[%dma_wait3A_897, %add3A_571, %dma_wait3A_898] : memref<1063x128x128xf32, #tpu.memory_space<hbm>> -> memref<448x1x128xf32, #tpu.memory_space<hbm>>
      %dma_wait3A_900 = tpu.memref_squeeze %dma_wait3A_899 : memref<448x1x128xf32, #tpu.memory_space<hbm>> -> memref<448x128xf32, #tpu.memory_space<hbm>>
      %dma_wait3A_901 = arith.constant 448 : i32
      %dma_wait3A_902 = arith.constant 0 : i32
      %dma_wait3A_903 = tpu.memref_slice %arg4[%dma_wait3A_901, %add3A_571, %dma_wait3A_902] : memref<1063x128x128xf32, #tpu.memory_space<hbm>> -> memref<448x1x128xf32, #tpu.memory_space<hbm>>
      %dma_wait3A_904 = tpu.memref_squeeze %dma_wait3A_903 : memref<448x1x128xf32, #tpu.memory_space<hbm>> -> memref<448x128xf32, #tpu.memory_space<hbm>>
      %dma_wait3A_905 = arith.constant 0 : i32
      %dma_wait3A_906 = arith.constant 0 : i32
      %dma_wait3A_907 = tpu.memref_slice %arg6[%dma_wait3A_905, %dma_wait3A_906] : memref<448x128xf32, #tpu.memory_space<vmem>> -> memref<448x128xf32, #tpu.memory_space<vmem>>
      tpu.wait_dma2 semaphore(%run_scoped3A : memref<!tpu.dma_semaphore, #tpu.memory_space<semaphore_mem>>) src(%dma_wait3A_907 : memref<448x128xf32, #tpu.memory_space<vmem>>) dst(%dma_wait3A_904 : memref<448x128xf32, #tpu.memory_space<hbm>>)
      tpu.yield
    }) : () -> ()
    %add3A_572 = arith.constant 895 : i32
    %add3A_573 = arith.addi %select_n3A_122, %add3A_572 : i32
    %dma_wait3A_574 = arith.constant 0 : i32
    %dma_wait3A_575 = arith.constant 0 : i32
    %dma_wait3A_576 = tpu.memref_slice %arg5[%dma_wait3A_574, %dma_wait3A_575] : memref<448x128xf32, #tpu.memory_space<vmem>> -> memref<168x128xf32, #tpu.memory_space<vmem>>
    %dma_wait3A_577 = arith.constant 0 : i32
    %dma_wait3A_578 = tpu.memref_slice %arg2[%add3A_573, %dma_wait3A_577] : memref<262144x128xf32, #tpu.memory_space<hbm>> -> memref<168x128xf32, #tpu.memory_space<hbm>>
    %dma_wait3A_579 = arith.constant 0 : i32
    %dma_wait3A_580 = arith.constant 0 : i32
    %dma_wait3A_581 = tpu.memref_slice %arg5[%dma_wait3A_579, %dma_wait3A_580] : memref<448x128xf32, #tpu.memory_space<vmem>> -> memref<168x128xf32, #tpu.memory_space<vmem>>
    %dma_wait3A_582 = arith.constant 0 : i32
    %dma_wait3A_583 = tpu.memref_slice %arg2[%add3A_573, %dma_wait3A_582] : memref<262144x128xf32, #tpu.memory_space<hbm>> -> memref<168x128xf32, #tpu.memory_space<hbm>>
    tpu.wait_dma2 semaphore(%arg7 : memref<!tpu.dma_semaphore, #tpu.memory_space<semaphore_mem>>) src(%dma_wait3A_583 : memref<168x128xf32, #tpu.memory_space<hbm>>) dst(%dma_wait3A_581 : memref<168x128xf32, #tpu.memory_space<vmem>>)
    %add3A_584 = arith.constant 0 : i32
    %add3A_585 = arith.addi %select_n3A_247, %add3A_584 : i32
    %dma_start3A_586 = arith.constant 0 : i32
    %dma_start3A_587 = arith.constant 0 : i32
    %dma_start3A_588 = tpu.memref_slice %arg6[%dma_start3A_586, %dma_start3A_587] : memref<448x128xf32, #tpu.memory_space<vmem>> -> memref<448x128xf32, #tpu.memory_space<vmem>>
    %dma_start3A_589 = arith.constant 0 : i32
    %dma_start3A_590 = tpu.memref_slice %arg2[%add3A_585, %dma_start3A_589] : memref<262144x128xf32, #tpu.memory_space<hbm>> -> memref<448x128xf32, #tpu.memory_space<hbm>>
    %dma_start3A_591 = arith.constant 0 : i32
    %dma_start3A_592 = arith.constant 0 : i32
    %dma_start3A_593 = tpu.memref_slice %arg6[%dma_start3A_591, %dma_start3A_592] : memref<448x128xf32, #tpu.memory_space<vmem>> -> memref<448x128xf32, #tpu.memory_space<vmem>>
    %dma_start3A_594 = arith.constant 0 : i32
    %dma_start3A_595 = tpu.memref_slice %arg2[%add3A_585, %dma_start3A_594] : memref<262144x128xf32, #tpu.memory_space<hbm>> -> memref<448x128xf32, #tpu.memory_space<hbm>>
    tpu.enqueue_dma source(%dma_start3A_595 : memref<448x128xf32, #tpu.memory_space<hbm>>) target(%dma_start3A_593 : memref<448x128xf32, #tpu.memory_space<vmem>>) target_semaphore(%arg8 : memref<!tpu.dma_semaphore, #tpu.memory_space<semaphore_mem>>)
    %mul3A_596 = arith.constant 4 : i32
    %mul3A_597 = arith.muli %add3A, %mul3A_596 : i32
    %add3A_598 = arith.constant 0 : i32
    %add3A_599 = arith.addi %mul3A_597, %add3A_598 : i32
    "tpu.region"() ({
      %run_scoped3A = tpu.sem_alloc : memref<!tpu.dma_semaphore, #tpu.memory_space<semaphore_mem>>
      %dma_start3A_880 = arith.constant 0 : i32
      %dma_start3A_881 = arith.constant 0 : i32
      %dma_start3A_882 = tpu.memref_slice %arg5[%dma_start3A_880, %dma_start3A_881] : memref<448x128xf32, #tpu.memory_space<vmem>> -> memref<168x128xf32, #tpu.memory_space<vmem>>
      %dma_start3A_883 = arith.constant 895 : i32
      %dma_start3A_884 = arith.constant 0 : i32
      %dma_start3A_885 = tpu.memref_slice %arg3[%dma_start3A_883, %add3A_599, %dma_start3A_884] : memref<1063x128x128xf32, #tpu.memory_space<hbm>> -> memref<168x1x128xf32, #tpu.memory_space<hbm>>
      %dma_start3A_886 = tpu.memref_squeeze %dma_start3A_885 : memref<168x1x128xf32, #tpu.memory_space<hbm>> -> memref<168x128xf32, #tpu.memory_space<hbm>>
      %dma_start3A_887 = arith.constant 895 : i32
      %dma_start3A_888 = arith.constant 0 : i32
      %dma_start3A_889 = tpu.memref_slice %arg3[%dma_start3A_887, %add3A_599, %dma_start3A_888] : memref<1063x128x128xf32, #tpu.memory_space<hbm>> -> memref<168x1x128xf32, #tpu.memory_space<hbm>>
      %dma_start3A_890 = tpu.memref_squeeze %dma_start3A_889 : memref<168x1x128xf32, #tpu.memory_space<hbm>> -> memref<168x128xf32, #tpu.memory_space<hbm>>
      %dma_start3A_891 = arith.constant 0 : i32
      %dma_start3A_892 = arith.constant 0 : i32
      %dma_start3A_893 = tpu.memref_slice %arg5[%dma_start3A_891, %dma_start3A_892] : memref<448x128xf32, #tpu.memory_space<vmem>> -> memref<168x128xf32, #tpu.memory_space<vmem>>
      tpu.enqueue_dma source(%dma_start3A_893 : memref<168x128xf32, #tpu.memory_space<vmem>>) target(%dma_start3A_890 : memref<168x128xf32, #tpu.memory_space<hbm>>) target_semaphore(%run_scoped3A : memref<!tpu.dma_semaphore, #tpu.memory_space<semaphore_mem>>)
      %dma_wait3A_894 = arith.constant 0 : i32
      %dma_wait3A_895 = arith.constant 0 : i32
      %dma_wait3A_896 = tpu.memref_slice %arg5[%dma_wait3A_894, %dma_wait3A_895] : memref<448x128xf32, #tpu.memory_space<vmem>> -> memref<168x128xf32, #tpu.memory_space<vmem>>
      %dma_wait3A_897 = arith.constant 895 : i32
      %dma_wait3A_898 = arith.constant 0 : i32
      %dma_wait3A_899 = tpu.memref_slice %arg3[%dma_wait3A_897, %add3A_599, %dma_wait3A_898] : memref<1063x128x128xf32, #tpu.memory_space<hbm>> -> memref<168x1x128xf32, #tpu.memory_space<hbm>>
      %dma_wait3A_900 = tpu.memref_squeeze %dma_wait3A_899 : memref<168x1x128xf32, #tpu.memory_space<hbm>> -> memref<168x128xf32, #tpu.memory_space<hbm>>
      %dma_wait3A_901 = arith.constant 895 : i32
      %dma_wait3A_902 = arith.constant 0 : i32
      %dma_wait3A_903 = tpu.memref_slice %arg3[%dma_wait3A_901, %add3A_599, %dma_wait3A_902] : memref<1063x128x128xf32, #tpu.memory_space<hbm>> -> memref<168x1x128xf32, #tpu.memory_space<hbm>>
      %dma_wait3A_904 = tpu.memref_squeeze %dma_wait3A_903 : memref<168x1x128xf32, #tpu.memory_space<hbm>> -> memref<168x128xf32, #tpu.memory_space<hbm>>
      %dma_wait3A_905 = arith.constant 0 : i32
      %dma_wait3A_906 = arith.constant 0 : i32
      %dma_wait3A_907 = tpu.memref_slice %arg5[%dma_wait3A_905, %dma_wait3A_906] : memref<448x128xf32, #tpu.memory_space<vmem>> -> memref<168x128xf32, #tpu.memory_space<vmem>>
      tpu.wait_dma2 semaphore(%run_scoped3A : memref<!tpu.dma_semaphore, #tpu.memory_space<semaphore_mem>>) src(%dma_wait3A_907 : memref<168x128xf32, #tpu.memory_space<vmem>>) dst(%dma_wait3A_904 : memref<168x128xf32, #tpu.memory_space<hbm>>)
      tpu.yield
    }) : () -> ()
    %mul3A_600 = arith.constant 4 : i32
    %mul3A_601 = arith.muli %add3A, %mul3A_600 : i32
    %add3A_602 = arith.constant 0 : i32
    %add3A_603 = arith.addi %mul3A_601, %add3A_602 : i32
    "tpu.region"() ({
      %run_scoped3A = tpu.sem_alloc : memref<!tpu.dma_semaphore, #tpu.memory_space<semaphore_mem>>
      %dma_start3A_880 = arith.constant 0 : i32
      %dma_start3A_881 = arith.constant 0 : i32
      %dma_start3A_882 = tpu.memref_slice %arg5[%dma_start3A_880, %dma_start3A_881] : memref<448x128xf32, #tpu.memory_space<vmem>> -> memref<168x128xf32, #tpu.memory_space<vmem>>
      %dma_start3A_883 = arith.constant 895 : i32
      %dma_start3A_884 = arith.constant 0 : i32
      %dma_start3A_885 = tpu.memref_slice %arg4[%dma_start3A_883, %add3A_603, %dma_start3A_884] : memref<1063x128x128xf32, #tpu.memory_space<hbm>> -> memref<168x1x128xf32, #tpu.memory_space<hbm>>
      %dma_start3A_886 = tpu.memref_squeeze %dma_start3A_885 : memref<168x1x128xf32, #tpu.memory_space<hbm>> -> memref<168x128xf32, #tpu.memory_space<hbm>>
      %dma_start3A_887 = arith.constant 895 : i32
      %dma_start3A_888 = arith.constant 0 : i32
      %dma_start3A_889 = tpu.memref_slice %arg4[%dma_start3A_887, %add3A_603, %dma_start3A_888] : memref<1063x128x128xf32, #tpu.memory_space<hbm>> -> memref<168x1x128xf32, #tpu.memory_space<hbm>>
      %dma_start3A_890 = tpu.memref_squeeze %dma_start3A_889 : memref<168x1x128xf32, #tpu.memory_space<hbm>> -> memref<168x128xf32, #tpu.memory_space<hbm>>
      %dma_start3A_891 = arith.constant 0 : i32
      %dma_start3A_892 = arith.constant 0 : i32
      %dma_start3A_893 = tpu.memref_slice %arg5[%dma_start3A_891, %dma_start3A_892] : memref<448x128xf32, #tpu.memory_space<vmem>> -> memref<168x128xf32, #tpu.memory_space<vmem>>
      tpu.enqueue_dma source(%dma_start3A_893 : memref<168x128xf32, #tpu.memory_space<vmem>>) target(%dma_start3A_890 : memref<168x128xf32, #tpu.memory_space<hbm>>) target_semaphore(%run_scoped3A : memref<!tpu.dma_semaphore, #tpu.memory_space<semaphore_mem>>)
      %dma_wait3A_894 = arith.constant 0 : i32
      %dma_wait3A_895 = arith.constant 0 : i32
      %dma_wait3A_896 = tpu.memref_slice %arg5[%dma_wait3A_894, %dma_wait3A_895] : memref<448x128xf32, #tpu.memory_space<vmem>> -> memref<168x128xf32, #tpu.memory_space<vmem>>
      %dma_wait3A_897 = arith.constant 895 : i32
      %dma_wait3A_898 = arith.constant 0 : i32
      %dma_wait3A_899 = tpu.memref_slice %arg4[%dma_wait3A_897, %add3A_603, %dma_wait3A_898] : memref<1063x128x128xf32, #tpu.memory_space<hbm>> -> memref<168x1x128xf32, #tpu.memory_space<hbm>>
      %dma_wait3A_900 = tpu.memref_squeeze %dma_wait3A_899 : memref<168x1x128xf32, #tpu.memory_space<hbm>> -> memref<168x128xf32, #tpu.memory_space<hbm>>
      %dma_wait3A_901 = arith.constant 895 : i32
      %dma_wait3A_902 = arith.constant 0 : i32
      %dma_wait3A_903 = tpu.memref_slice %arg4[%dma_wait3A_901, %add3A_603, %dma_wait3A_902] : memref<1063x128x128xf32, #tpu.memory_space<hbm>> -> memref<168x1x128xf32, #tpu.memory_space<hbm>>
      %dma_wait3A_904 = tpu.memref_squeeze %dma_wait3A_903 : memref<168x1x128xf32, #tpu.memory_space<hbm>> -> memref<168x128xf32, #tpu.memory_space<hbm>>
      %dma_wait3A_905 = arith.constant 0 : i32
      %dma_wait3A_906 = arith.constant 0 : i32
      %dma_wait3A_907 = tpu.memref_slice %arg5[%dma_wait3A_905, %dma_wait3A_906] : memref<448x128xf32, #tpu.memory_space<vmem>> -> memref<168x128xf32, #tpu.memory_space<vmem>>
      tpu.wait_dma2 semaphore(%run_scoped3A : memref<!tpu.dma_semaphore, #tpu.memory_space<semaphore_mem>>) src(%dma_wait3A_907 : memref<168x128xf32, #tpu.memory_space<vmem>>) dst(%dma_wait3A_904 : memref<168x128xf32, #tpu.memory_space<hbm>>)
      tpu.yield
    }) : () -> ()
    %add3A_604 = arith.constant 0 : i32
    %add3A_605 = arith.addi %select_n3A_247, %add3A_604 : i32
    %dma_wait3A_606 = arith.constant 0 : i32
    %dma_wait3A_607 = arith.constant 0 : i32
    %dma_wait3A_608 = tpu.memref_slice %arg6[%dma_wait3A_606, %dma_wait3A_607] : memref<448x128xf32, #tpu.memory_space<vmem>> -> memref<448x128xf32, #tpu.memory_space<vmem>>
    %dma_wait3A_609 = arith.constant 0 : i32
    %dma_wait3A_610 = tpu.memref_slice %arg2[%add3A_605, %dma_wait3A_609] : memref<262144x128xf32, #tpu.memory_space<hbm>> -> memref<448x128xf32, #tpu.memory_space<hbm>>
    %dma_wait3A_611 = arith.constant 0 : i32
    %dma_wait3A_612 = arith.constant 0 : i32
    %dma_wait3A_613 = tpu.memref_slice %arg6[%dma_wait3A_611, %dma_wait3A_612] : memref<448x128xf32, #tpu.memory_space<vmem>> -> memref<448x128xf32, #tpu.memory_space<vmem>>
    %dma_wait3A_614 = arith.constant 0 : i32
    %dma_wait3A_615 = tpu.memref_slice %arg2[%add3A_605, %dma_wait3A_614] : memref<262144x128xf32, #tpu.memory_space<hbm>> -> memref<448x128xf32, #tpu.memory_space<hbm>>
    tpu.wait_dma2 semaphore(%arg8 : memref<!tpu.dma_semaphore, #tpu.memory_space<semaphore_mem>>) src(%dma_wait3A_615 : memref<448x128xf32, #tpu.memory_space<hbm>>) dst(%dma_wait3A_613 : memref<448x128xf32, #tpu.memory_space<vmem>>)
    %add3A_616 = arith.constant 448 : i32
    %add3A_617 = arith.addi %select_n3A_247, %add3A_616 : i32
    %dma_start3A_618 = arith.constant 0 : i32
    %dma_start3A_619 = arith.constant 0 : i32
    %dma_start3A_620 = tpu.memref_slice %arg5[%dma_start3A_618, %dma_start3A_619] : memref<448x128xf32, #tpu.memory_space<vmem>> -> memref<448x128xf32, #tpu.memory_space<vmem>>
    %dma_start3A_621 = arith.constant 0 : i32
    %dma_start3A_622 = tpu.memref_slice %arg2[%add3A_617, %dma_start3A_621] : memref<262144x128xf32, #tpu.memory_space<hbm>> -> memref<448x128xf32, #tpu.memory_space<hbm>>
    %dma_start3A_623 = arith.constant 0 : i32
    %dma_start3A_624 = arith.constant 0 : i32
    %dma_start3A_625 = tpu.memref_slice %arg5[%dma_start3A_623, %dma_start3A_624] : memref<448x128xf32, #tpu.memory_space<vmem>> -> memref<448x128xf32, #tpu.memory_space<vmem>>
    %dma_start3A_626 = arith.constant 0 : i32
    %dma_start3A_627 = tpu.memref_slice %arg2[%add3A_617, %dma_start3A_626] : memref<262144x128xf32, #tpu.memory_space<hbm>> -> memref<448x128xf32, #tpu.memory_space<hbm>>
    tpu.enqueue_dma source(%dma_start3A_627 : memref<448x128xf32, #tpu.memory_space<hbm>>) target(%dma_start3A_625 : memref<448x128xf32, #tpu.memory_space<vmem>>) target_semaphore(%arg7 : memref<!tpu.dma_semaphore, #tpu.memory_space<semaphore_mem>>)
    %mul3A_628 = arith.constant 4 : i32
    %mul3A_629 = arith.muli %add3A, %mul3A_628 : i32
    %add3A_630 = arith.constant 1 : i32
    %add3A_631 = arith.addi %mul3A_629, %add3A_630 : i32
    "tpu.region"() ({
      %run_scoped3A = tpu.sem_alloc : memref<!tpu.dma_semaphore, #tpu.memory_space<semaphore_mem>>
      %dma_start3A_880 = arith.constant 0 : i32
      %dma_start3A_881 = arith.constant 0 : i32
      %dma_start3A_882 = tpu.memref_slice %arg6[%dma_start3A_880, %dma_start3A_881] : memref<448x128xf32, #tpu.memory_space<vmem>> -> memref<448x128xf32, #tpu.memory_space<vmem>>
      %dma_start3A_883 = arith.constant 0 : i32
      %dma_start3A_884 = arith.constant 0 : i32
      %dma_start3A_885 = tpu.memref_slice %arg3[%dma_start3A_883, %add3A_631, %dma_start3A_884] : memref<1063x128x128xf32, #tpu.memory_space<hbm>> -> memref<448x1x128xf32, #tpu.memory_space<hbm>>
      %dma_start3A_886 = tpu.memref_squeeze %dma_start3A_885 : memref<448x1x128xf32, #tpu.memory_space<hbm>> -> memref<448x128xf32, #tpu.memory_space<hbm>>
      %dma_start3A_887 = arith.constant 0 : i32
      %dma_start3A_888 = arith.constant 0 : i32
      %dma_start3A_889 = tpu.memref_slice %arg3[%dma_start3A_887, %add3A_631, %dma_start3A_888] : memref<1063x128x128xf32, #tpu.memory_space<hbm>> -> memref<448x1x128xf32, #tpu.memory_space<hbm>>
      %dma_start3A_890 = tpu.memref_squeeze %dma_start3A_889 : memref<448x1x128xf32, #tpu.memory_space<hbm>> -> memref<448x128xf32, #tpu.memory_space<hbm>>
      %dma_start3A_891 = arith.constant 0 : i32
      %dma_start3A_892 = arith.constant 0 : i32
      %dma_start3A_893 = tpu.memref_slice %arg6[%dma_start3A_891, %dma_start3A_892] : memref<448x128xf32, #tpu.memory_space<vmem>> -> memref<448x128xf32, #tpu.memory_space<vmem>>
      tpu.enqueue_dma source(%dma_start3A_893 : memref<448x128xf32, #tpu.memory_space<vmem>>) target(%dma_start3A_890 : memref<448x128xf32, #tpu.memory_space<hbm>>) target_semaphore(%run_scoped3A : memref<!tpu.dma_semaphore, #tpu.memory_space<semaphore_mem>>)
      %dma_wait3A_894 = arith.constant 0 : i32
      %dma_wait3A_895 = arith.constant 0 : i32
      %dma_wait3A_896 = tpu.memref_slice %arg6[%dma_wait3A_894, %dma_wait3A_895] : memref<448x128xf32, #tpu.memory_space<vmem>> -> memref<448x128xf32, #tpu.memory_space<vmem>>
      %dma_wait3A_897 = arith.constant 0 : i32
      %dma_wait3A_898 = arith.constant 0 : i32
      %dma_wait3A_899 = tpu.memref_slice %arg3[%dma_wait3A_897, %add3A_631, %dma_wait3A_898] : memref<1063x128x128xf32, #tpu.memory_space<hbm>> -> memref<448x1x128xf32, #tpu.memory_space<hbm>>
      %dma_wait3A_900 = tpu.memref_squeeze %dma_wait3A_899 : memref<448x1x128xf32, #tpu.memory_space<hbm>> -> memref<448x128xf32, #tpu.memory_space<hbm>>
      %dma_wait3A_901 = arith.constant 0 : i32
      %dma_wait3A_902 = arith.constant 0 : i32
      %dma_wait3A_903 = tpu.memref_slice %arg3[%dma_wait3A_901, %add3A_631, %dma_wait3A_902] : memref<1063x128x128xf32, #tpu.memory_space<hbm>> -> memref<448x1x128xf32, #tpu.memory_space<hbm>>
      %dma_wait3A_904 = tpu.memref_squeeze %dma_wait3A_903 : memref<448x1x128xf32, #tpu.memory_space<hbm>> -> memref<448x128xf32, #tpu.memory_space<hbm>>
      %dma_wait3A_905 = arith.constant 0 : i32
      %dma_wait3A_906 = arith.constant 0 : i32
      %dma_wait3A_907 = tpu.memref_slice %arg6[%dma_wait3A_905, %dma_wait3A_906] : memref<448x128xf32, #tpu.memory_space<vmem>> -> memref<448x128xf32, #tpu.memory_space<vmem>>
      tpu.wait_dma2 semaphore(%run_scoped3A : memref<!tpu.dma_semaphore, #tpu.memory_space<semaphore_mem>>) src(%dma_wait3A_907 : memref<448x128xf32, #tpu.memory_space<vmem>>) dst(%dma_wait3A_904 : memref<448x128xf32, #tpu.memory_space<hbm>>)
      tpu.yield
    }) : () -> ()
    %mul3A_632 = arith.constant 4 : i32
    %mul3A_633 = arith.muli %add3A, %mul3A_632 : i32
    %add3A_634 = arith.constant 1 : i32
    %add3A_635 = arith.addi %mul3A_633, %add3A_634 : i32
    "tpu.region"() ({
      %run_scoped3A = tpu.sem_alloc : memref<!tpu.dma_semaphore, #tpu.memory_space<semaphore_mem>>
      %dma_start3A_880 = arith.constant 0 : i32
      %dma_start3A_881 = arith.constant 0 : i32
      %dma_start3A_882 = tpu.memref_slice %arg6[%dma_start3A_880, %dma_start3A_881] : memref<448x128xf32, #tpu.memory_space<vmem>> -> memref<448x128xf32, #tpu.memory_space<vmem>>
      %dma_start3A_883 = arith.constant 0 : i32
      %dma_start3A_884 = arith.constant 0 : i32
      %dma_start3A_885 = tpu.memref_slice %arg4[%dma_start3A_883, %add3A_635, %dma_start3A_884] : memref<1063x128x128xf32, #tpu.memory_space<hbm>> -> memref<448x1x128xf32, #tpu.memory_space<hbm>>
      %dma_start3A_886 = tpu.memref_squeeze %dma_start3A_885 : memref<448x1x128xf32, #tpu.memory_space<hbm>> -> memref<448x128xf32, #tpu.memory_space<hbm>>
      %dma_start3A_887 = arith.constant 0 : i32
      %dma_start3A_888 = arith.constant 0 : i32
      %dma_start3A_889 = tpu.memref_slice %arg4[%dma_start3A_887, %add3A_635, %dma_start3A_888] : memref<1063x128x128xf32, #tpu.memory_space<hbm>> -> memref<448x1x128xf32, #tpu.memory_space<hbm>>
      %dma_start3A_890 = tpu.memref_squeeze %dma_start3A_889 : memref<448x1x128xf32, #tpu.memory_space<hbm>> -> memref<448x128xf32, #tpu.memory_space<hbm>>
      %dma_start3A_891 = arith.constant 0 : i32
      %dma_start3A_892 = arith.constant 0 : i32
      %dma_start3A_893 = tpu.memref_slice %arg6[%dma_start3A_891, %dma_start3A_892] : memref<448x128xf32, #tpu.memory_space<vmem>> -> memref<448x128xf32, #tpu.memory_space<vmem>>
      tpu.enqueue_dma source(%dma_start3A_893 : memref<448x128xf32, #tpu.memory_space<vmem>>) target(%dma_start3A_890 : memref<448x128xf32, #tpu.memory_space<hbm>>) target_semaphore(%run_scoped3A : memref<!tpu.dma_semaphore, #tpu.memory_space<semaphore_mem>>)
      %dma_wait3A_894 = arith.constant 0 : i32
      %dma_wait3A_895 = arith.constant 0 : i32
      %dma_wait3A_896 = tpu.memref_slice %arg6[%dma_wait3A_894, %dma_wait3A_895] : memref<448x128xf32, #tpu.memory_space<vmem>> -> memref<448x128xf32, #tpu.memory_space<vmem>>
      %dma_wait3A_897 = arith.constant 0 : i32
      %dma_wait3A_898 = arith.constant 0 : i32
      %dma_wait3A_899 = tpu.memref_slice %arg4[%dma_wait3A_897, %add3A_635, %dma_wait3A_898] : memref<1063x128x128xf32, #tpu.memory_space<hbm>> -> memref<448x1x128xf32, #tpu.memory_space<hbm>>
      %dma_wait3A_900 = tpu.memref_squeeze %dma_wait3A_899 : memref<448x1x128xf32, #tpu.memory_space<hbm>> -> memref<448x128xf32, #tpu.memory_space<hbm>>
      %dma_wait3A_901 = arith.constant 0 : i32
      %dma_wait3A_902 = arith.constant 0 : i32
      %dma_wait3A_903 = tpu.memref_slice %arg4[%dma_wait3A_901, %add3A_635, %dma_wait3A_902] : memref<1063x128x128xf32, #tpu.memory_space<hbm>> -> memref<448x1x128xf32, #tpu.memory_space<hbm>>
      %dma_wait3A_904 = tpu.memref_squeeze %dma_wait3A_903 : memref<448x1x128xf32, #tpu.memory_space<hbm>> -> memref<448x128xf32, #tpu.memory_space<hbm>>
      %dma_wait3A_905 = arith.constant 0 : i32
      %dma_wait3A_906 = arith.constant 0 : i32
      %dma_wait3A_907 = tpu.memref_slice %arg6[%dma_wait3A_905, %dma_wait3A_906] : memref<448x128xf32, #tpu.memory_space<vmem>> -> memref<448x128xf32, #tpu.memory_space<vmem>>
      tpu.wait_dma2 semaphore(%run_scoped3A : memref<!tpu.dma_semaphore, #tpu.memory_space<semaphore_mem>>) src(%dma_wait3A_907 : memref<448x128xf32, #tpu.memory_space<vmem>>) dst(%dma_wait3A_904 : memref<448x128xf32, #tpu.memory_space<hbm>>)
      tpu.yield
    }) : () -> ()
    %add3A_636 = arith.constant 448 : i32
    %add3A_637 = arith.addi %select_n3A_247, %add3A_636 : i32
    %dma_wait3A_638 = arith.constant 0 : i32
    %dma_wait3A_639 = arith.constant 0 : i32
    %dma_wait3A_640 = tpu.memref_slice %arg5[%dma_wait3A_638, %dma_wait3A_639] : memref<448x128xf32, #tpu.memory_space<vmem>> -> memref<448x128xf32, #tpu.memory_space<vmem>>
    %dma_wait3A_641 = arith.constant 0 : i32
    %dma_wait3A_642 = tpu.memref_slice %arg2[%add3A_637, %dma_wait3A_641] : memref<262144x128xf32, #tpu.memory_space<hbm>> -> memref<448x128xf32, #tpu.memory_space<hbm>>
    %dma_wait3A_643 = arith.constant 0 : i32
    %dma_wait3A_644 = arith.constant 0 : i32
    %dma_wait3A_645 = tpu.memref_slice %arg5[%dma_wait3A_643, %dma_wait3A_644] : memref<448x128xf32, #tpu.memory_space<vmem>> -> memref<448x128xf32, #tpu.memory_space<vmem>>
    %dma_wait3A_646 = arith.constant 0 : i32
    %dma_wait3A_647 = tpu.memref_slice %arg2[%add3A_637, %dma_wait3A_646] : memref<262144x128xf32, #tpu.memory_space<hbm>> -> memref<448x128xf32, #tpu.memory_space<hbm>>
    tpu.wait_dma2 semaphore(%arg7 : memref<!tpu.dma_semaphore, #tpu.memory_space<semaphore_mem>>) src(%dma_wait3A_647 : memref<448x128xf32, #tpu.memory_space<hbm>>) dst(%dma_wait3A_645 : memref<448x128xf32, #tpu.memory_space<vmem>>)
    %add3A_648 = arith.constant 895 : i32
    %add3A_649 = arith.addi %select_n3A_247, %add3A_648 : i32
    %dma_start3A_650 = arith.constant 0 : i32
    %dma_start3A_651 = arith.constant 0 : i32
    %dma_start3A_652 = tpu.memref_slice %arg6[%dma_start3A_650, %dma_start3A_651] : memref<448x128xf32, #tpu.memory_space<vmem>> -> memref<168x128xf32, #tpu.memory_space<vmem>>
    %dma_start3A_653 = arith.constant 0 : i32
    %dma_start3A_654 = tpu.memref_slice %arg2[%add3A_649, %dma_start3A_653] : memref<262144x128xf32, #tpu.memory_space<hbm>> -> memref<168x128xf32, #tpu.memory_space<hbm>>
    %dma_start3A_655 = arith.constant 0 : i32
    %dma_start3A_656 = arith.constant 0 : i32
    %dma_start3A_657 = tpu.memref_slice %arg6[%dma_start3A_655, %dma_start3A_656] : memref<448x128xf32, #tpu.memory_space<vmem>> -> memref<168x128xf32, #tpu.memory_space<vmem>>
    %dma_start3A_658 = arith.constant 0 : i32
    %dma_start3A_659 = tpu.memref_slice %arg2[%add3A_649, %dma_start3A_658] : memref<262144x128xf32, #tpu.memory_space<hbm>> -> memref<168x128xf32, #tpu.memory_space<hbm>>
    tpu.enqueue_dma source(%dma_start3A_659 : memref<168x128xf32, #tpu.memory_space<hbm>>) target(%dma_start3A_657 : memref<168x128xf32, #tpu.memory_space<vmem>>) target_semaphore(%arg8 : memref<!tpu.dma_semaphore, #tpu.memory_space<semaphore_mem>>)
    %mul3A_660 = arith.constant 4 : i32
    %mul3A_661 = arith.muli %add3A, %mul3A_660 : i32
    %add3A_662 = arith.constant 1 : i32
    %add3A_663 = arith.addi %mul3A_661, %add3A_662 : i32
    "tpu.region"() ({
      %run_scoped3A = tpu.sem_alloc : memref<!tpu.dma_semaphore, #tpu.memory_space<semaphore_mem>>
      %dma_start3A_880 = arith.constant 0 : i32
      %dma_start3A_881 = arith.constant 0 : i32
      %dma_start3A_882 = tpu.memref_slice %arg5[%dma_start3A_880, %dma_start3A_881] : memref<448x128xf32, #tpu.memory_space<vmem>> -> memref<448x128xf32, #tpu.memory_space<vmem>>
      %dma_start3A_883 = arith.constant 448 : i32
      %dma_start3A_884 = arith.constant 0 : i32
      %dma_start3A_885 = tpu.memref_slice %arg3[%dma_start3A_883, %add3A_663, %dma_start3A_884] : memref<1063x128x128xf32, #tpu.memory_space<hbm>> -> memref<448x1x128xf32, #tpu.memory_space<hbm>>
      %dma_start3A_886 = tpu.memref_squeeze %dma_start3A_885 : memref<448x1x128xf32, #tpu.memory_space<hbm>> -> memref<448x128xf32, #tpu.memory_space<hbm>>
      %dma_start3A_887 = arith.constant 448 : i32
      %dma_start3A_888 = arith.constant 0 : i32
      %dma_start3A_889 = tpu.memref_slice %arg3[%dma_start3A_887, %add3A_663, %dma_start3A_888] : memref<1063x128x128xf32, #tpu.memory_space<hbm>> -> memref<448x1x128xf32, #tpu.memory_space<hbm>>
      %dma_start3A_890 = tpu.memref_squeeze %dma_start3A_889 : memref<448x1x128xf32, #tpu.memory_space<hbm>> -> memref<448x128xf32, #tpu.memory_space<hbm>>
      %dma_start3A_891 = arith.constant 0 : i32
      %dma_start3A_892 = arith.constant 0 : i32
      %dma_start3A_893 = tpu.memref_slice %arg5[%dma_start3A_891, %dma_start3A_892] : memref<448x128xf32, #tpu.memory_space<vmem>> -> memref<448x128xf32, #tpu.memory_space<vmem>>
      tpu.enqueue_dma source(%dma_start3A_893 : memref<448x128xf32, #tpu.memory_space<vmem>>) target(%dma_start3A_890 : memref<448x128xf32, #tpu.memory_space<hbm>>) target_semaphore(%run_scoped3A : memref<!tpu.dma_semaphore, #tpu.memory_space<semaphore_mem>>)
      %dma_wait3A_894 = arith.constant 0 : i32
      %dma_wait3A_895 = arith.constant 0 : i32
      %dma_wait3A_896 = tpu.memref_slice %arg5[%dma_wait3A_894, %dma_wait3A_895] : memref<448x128xf32, #tpu.memory_space<vmem>> -> memref<448x128xf32, #tpu.memory_space<vmem>>
      %dma_wait3A_897 = arith.constant 448 : i32
      %dma_wait3A_898 = arith.constant 0 : i32
      %dma_wait3A_899 = tpu.memref_slice %arg3[%dma_wait3A_897, %add3A_663, %dma_wait3A_898] : memref<1063x128x128xf32, #tpu.memory_space<hbm>> -> memref<448x1x128xf32, #tpu.memory_space<hbm>>
      %dma_wait3A_900 = tpu.memref_squeeze %dma_wait3A_899 : memref<448x1x128xf32, #tpu.memory_space<hbm>> -> memref<448x128xf32, #tpu.memory_space<hbm>>
      %dma_wait3A_901 = arith.constant 448 : i32
      %dma_wait3A_902 = arith.constant 0 : i32
      %dma_wait3A_903 = tpu.memref_slice %arg3[%dma_wait3A_901, %add3A_663, %dma_wait3A_902] : memref<1063x128x128xf32, #tpu.memory_space<hbm>> -> memref<448x1x128xf32, #tpu.memory_space<hbm>>
      %dma_wait3A_904 = tpu.memref_squeeze %dma_wait3A_903 : memref<448x1x128xf32, #tpu.memory_space<hbm>> -> memref<448x128xf32, #tpu.memory_space<hbm>>
      %dma_wait3A_905 = arith.constant 0 : i32
      %dma_wait3A_906 = arith.constant 0 : i32
      %dma_wait3A_907 = tpu.memref_slice %arg5[%dma_wait3A_905, %dma_wait3A_906] : memref<448x128xf32, #tpu.memory_space<vmem>> -> memref<448x128xf32, #tpu.memory_space<vmem>>
      tpu.wait_dma2 semaphore(%run_scoped3A : memref<!tpu.dma_semaphore, #tpu.memory_space<semaphore_mem>>) src(%dma_wait3A_907 : memref<448x128xf32, #tpu.memory_space<vmem>>) dst(%dma_wait3A_904 : memref<448x128xf32, #tpu.memory_space<hbm>>)
      tpu.yield
    }) : () -> ()
    %mul3A_664 = arith.constant 4 : i32
    %mul3A_665 = arith.muli %add3A, %mul3A_664 : i32
    %add3A_666 = arith.constant 1 : i32
    %add3A_667 = arith.addi %mul3A_665, %add3A_666 : i32
    "tpu.region"() ({
      %run_scoped3A = tpu.sem_alloc : memref<!tpu.dma_semaphore, #tpu.memory_space<semaphore_mem>>
      %dma_start3A_880 = arith.constant 0 : i32
      %dma_start3A_881 = arith.constant 0 : i32
      %dma_start3A_882 = tpu.memref_slice %arg5[%dma_start3A_880, %dma_start3A_881] : memref<448x128xf32, #tpu.memory_space<vmem>> -> memref<448x128xf32, #tpu.memory_space<vmem>>
      %dma_start3A_883 = arith.constant 448 : i32
      %dma_start3A_884 = arith.constant 0 : i32
      %dma_start3A_885 = tpu.memref_slice %arg4[%dma_start3A_883, %add3A_667, %dma_start3A_884] : memref<1063x128x128xf32, #tpu.memory_space<hbm>> -> memref<448x1x128xf32, #tpu.memory_space<hbm>>
      %dma_start3A_886 = tpu.memref_squeeze %dma_start3A_885 : memref<448x1x128xf32, #tpu.memory_space<hbm>> -> memref<448x128xf32, #tpu.memory_space<hbm>>
      %dma_start3A_887 = arith.constant 448 : i32
      %dma_start3A_888 = arith.constant 0 : i32
      %dma_start3A_889 = tpu.memref_slice %arg4[%dma_start3A_887, %add3A_667, %dma_start3A_888] : memref<1063x128x128xf32, #tpu.memory_space<hbm>> -> memref<448x1x128xf32, #tpu.memory_space<hbm>>
      %dma_start3A_890 = tpu.memref_squeeze %dma_start3A_889 : memref<448x1x128xf32, #tpu.memory_space<hbm>> -> memref<448x128xf32, #tpu.memory_space<hbm>>
      %dma_start3A_891 = arith.constant 0 : i32
      %dma_start3A_892 = arith.constant 0 : i32
      %dma_start3A_893 = tpu.memref_slice %arg5[%dma_start3A_891, %dma_start3A_892] : memref<448x128xf32, #tpu.memory_space<vmem>> -> memref<448x128xf32, #tpu.memory_space<vmem>>
      tpu.enqueue_dma source(%dma_start3A_893 : memref<448x128xf32, #tpu.memory_space<vmem>>) target(%dma_start3A_890 : memref<448x128xf32, #tpu.memory_space<hbm>>) target_semaphore(%run_scoped3A : memref<!tpu.dma_semaphore, #tpu.memory_space<semaphore_mem>>)
      %dma_wait3A_894 = arith.constant 0 : i32
      %dma_wait3A_895 = arith.constant 0 : i32
      %dma_wait3A_896 = tpu.memref_slice %arg5[%dma_wait3A_894, %dma_wait3A_895] : memref<448x128xf32, #tpu.memory_space<vmem>> -> memref<448x128xf32, #tpu.memory_space<vmem>>
      %dma_wait3A_897 = arith.constant 448 : i32
      %dma_wait3A_898 = arith.constant 0 : i32
      %dma_wait3A_899 = tpu.memref_slice %arg4[%dma_wait3A_897, %add3A_667, %dma_wait3A_898] : memref<1063x128x128xf32, #tpu.memory_space<hbm>> -> memref<448x1x128xf32, #tpu.memory_space<hbm>>
      %dma_wait3A_900 = tpu.memref_squeeze %dma_wait3A_899 : memref<448x1x128xf32, #tpu.memory_space<hbm>> -> memref<448x128xf32, #tpu.memory_space<hbm>>
      %dma_wait3A_901 = arith.constant 448 : i32
      %dma_wait3A_902 = arith.constant 0 : i32
      %dma_wait3A_903 = tpu.memref_slice %arg4[%dma_wait3A_901, %add3A_667, %dma_wait3A_902] : memref<1063x128x128xf32, #tpu.memory_space<hbm>> -> memref<448x1x128xf32, #tpu.memory_space<hbm>>
      %dma_wait3A_904 = tpu.memref_squeeze %dma_wait3A_903 : memref<448x1x128xf32, #tpu.memory_space<hbm>> -> memref<448x128xf32, #tpu.memory_space<hbm>>
      %dma_wait3A_905 = arith.constant 0 : i32
      %dma_wait3A_906 = arith.constant 0 : i32
      %dma_wait3A_907 = tpu.memref_slice %arg5[%dma_wait3A_905, %dma_wait3A_906] : memref<448x128xf32, #tpu.memory_space<vmem>> -> memref<448x128xf32, #tpu.memory_space<vmem>>
      tpu.wait_dma2 semaphore(%run_scoped3A : memref<!tpu.dma_semaphore, #tpu.memory_space<semaphore_mem>>) src(%dma_wait3A_907 : memref<448x128xf32, #tpu.memory_space<vmem>>) dst(%dma_wait3A_904 : memref<448x128xf32, #tpu.memory_space<hbm>>)
      tpu.yield
    }) : () -> ()
    %add3A_668 = arith.constant 895 : i32
    %add3A_669 = arith.addi %select_n3A_247, %add3A_668 : i32
    %dma_wait3A_670 = arith.constant 0 : i32
    %dma_wait3A_671 = arith.constant 0 : i32
    %dma_wait3A_672 = tpu.memref_slice %arg6[%dma_wait3A_670, %dma_wait3A_671] : memref<448x128xf32, #tpu.memory_space<vmem>> -> memref<168x128xf32, #tpu.memory_space<vmem>>
    %dma_wait3A_673 = arith.constant 0 : i32
    %dma_wait3A_674 = tpu.memref_slice %arg2[%add3A_669, %dma_wait3A_673] : memref<262144x128xf32, #tpu.memory_space<hbm>> -> memref<168x128xf32, #tpu.memory_space<hbm>>
    %dma_wait3A_675 = arith.constant 0 : i32
    %dma_wait3A_676 = arith.constant 0 : i32
    %dma_wait3A_677 = tpu.memref_slice %arg6[%dma_wait3A_675, %dma_wait3A_676] : memref<448x128xf32, #tpu.memory_space<vmem>> -> memref<168x128xf32, #tpu.memory_space<vmem>>
    %dma_wait3A_678 = arith.constant 0 : i32
    %dma_wait3A_679 = tpu.memref_slice %arg2[%add3A_669, %dma_wait3A_678] : memref<262144x128xf32, #tpu.memory_space<hbm>> -> memref<168x128xf32, #tpu.memory_space<hbm>>
    tpu.wait_dma2 semaphore(%arg8 : memref<!tpu.dma_semaphore, #tpu.memory_space<semaphore_mem>>) src(%dma_wait3A_679 : memref<168x128xf32, #tpu.memory_space<hbm>>) dst(%dma_wait3A_677 : memref<168x128xf32, #tpu.memory_space<vmem>>)
    %add3A_680 = arith.constant 0 : i32
    %add3A_681 = arith.addi %select_n3A_372, %add3A_680 : i32
    %dma_start3A_682 = arith.constant 0 : i32
    %dma_start3A_683 = arith.constant 0 : i32
    %dma_start3A_684 = tpu.memref_slice %arg5[%dma_start3A_682, %dma_start3A_683] : memref<448x128xf32, #tpu.memory_space<vmem>> -> memref<448x128xf32, #tpu.memory_space<vmem>>
    %dma_start3A_685 = arith.constant 0 : i32
    %dma_start3A_686 = tpu.memref_slice %arg2[%add3A_681, %dma_start3A_685] : memref<262144x128xf32, #tpu.memory_space<hbm>> -> memref<448x128xf32, #tpu.memory_space<hbm>>
    %dma_start3A_687 = arith.constant 0 : i32
    %dma_start3A_688 = arith.constant 0 : i32
    %dma_start3A_689 = tpu.memref_slice %arg5[%dma_start3A_687, %dma_start3A_688] : memref<448x128xf32, #tpu.memory_space<vmem>> -> memref<448x128xf32, #tpu.memory_space<vmem>>
    %dma_start3A_690 = arith.constant 0 : i32
    %dma_start3A_691 = tpu.memref_slice %arg2[%add3A_681, %dma_start3A_690] : memref<262144x128xf32, #tpu.memory_space<hbm>> -> memref<448x128xf32, #tpu.memory_space<hbm>>
    tpu.enqueue_dma source(%dma_start3A_691 : memref<448x128xf32, #tpu.memory_space<hbm>>) target(%dma_start3A_689 : memref<448x128xf32, #tpu.memory_space<vmem>>) target_semaphore(%arg7 : memref<!tpu.dma_semaphore, #tpu.memory_space<semaphore_mem>>)
    %mul3A_692 = arith.constant 4 : i32
    %mul3A_693 = arith.muli %add3A, %mul3A_692 : i32
    %add3A_694 = arith.constant 1 : i32
    %add3A_695 = arith.addi %mul3A_693, %add3A_694 : i32
    "tpu.region"() ({
      %run_scoped3A = tpu.sem_alloc : memref<!tpu.dma_semaphore, #tpu.memory_space<semaphore_mem>>
      %dma_start3A_880 = arith.constant 0 : i32
      %dma_start3A_881 = arith.constant 0 : i32
      %dma_start3A_882 = tpu.memref_slice %arg6[%dma_start3A_880, %dma_start3A_881] : memref<448x128xf32, #tpu.memory_space<vmem>> -> memref<168x128xf32, #tpu.memory_space<vmem>>
      %dma_start3A_883 = arith.constant 895 : i32
      %dma_start3A_884 = arith.constant 0 : i32
      %dma_start3A_885 = tpu.memref_slice %arg3[%dma_start3A_883, %add3A_695, %dma_start3A_884] : memref<1063x128x128xf32, #tpu.memory_space<hbm>> -> memref<168x1x128xf32, #tpu.memory_space<hbm>>
      %dma_start3A_886 = tpu.memref_squeeze %dma_start3A_885 : memref<168x1x128xf32, #tpu.memory_space<hbm>> -> memref<168x128xf32, #tpu.memory_space<hbm>>
      %dma_start3A_887 = arith.constant 895 : i32
      %dma_start3A_888 = arith.constant 0 : i32
      %dma_start3A_889 = tpu.memref_slice %arg3[%dma_start3A_887, %add3A_695, %dma_start3A_888] : memref<1063x128x128xf32, #tpu.memory_space<hbm>> -> memref<168x1x128xf32, #tpu.memory_space<hbm>>
      %dma_start3A_890 = tpu.memref_squeeze %dma_start3A_889 : memref<168x1x128xf32, #tpu.memory_space<hbm>> -> memref<168x128xf32, #tpu.memory_space<hbm>>
      %dma_start3A_891 = arith.constant 0 : i32
      %dma_start3A_892 = arith.constant 0 : i32
      %dma_start3A_893 = tpu.memref_slice %arg6[%dma_start3A_891, %dma_start3A_892] : memref<448x128xf32, #tpu.memory_space<vmem>> -> memref<168x128xf32, #tpu.memory_space<vmem>>
      tpu.enqueue_dma source(%dma_start3A_893 : memref<168x128xf32, #tpu.memory_space<vmem>>) target(%dma_start3A_890 : memref<168x128xf32, #tpu.memory_space<hbm>>) target_semaphore(%run_scoped3A : memref<!tpu.dma_semaphore, #tpu.memory_space<semaphore_mem>>)
      %dma_wait3A_894 = arith.constant 0 : i32
      %dma_wait3A_895 = arith.constant 0 : i32
      %dma_wait3A_896 = tpu.memref_slice %arg6[%dma_wait3A_894, %dma_wait3A_895] : memref<448x128xf32, #tpu.memory_space<vmem>> -> memref<168x128xf32, #tpu.memory_space<vmem>>
      %dma_wait3A_897 = arith.constant 895 : i32
      %dma_wait3A_898 = arith.constant 0 : i32
      %dma_wait3A_899 = tpu.memref_slice %arg3[%dma_wait3A_897, %add3A_695, %dma_wait3A_898] : memref<1063x128x128xf32, #tpu.memory_space<hbm>> -> memref<168x1x128xf32, #tpu.memory_space<hbm>>
      %dma_wait3A_900 = tpu.memref_squeeze %dma_wait3A_899 : memref<168x1x128xf32, #tpu.memory_space<hbm>> -> memref<168x128xf32, #tpu.memory_space<hbm>>
      %dma_wait3A_901 = arith.constant 895 : i32
      %dma_wait3A_902 = arith.constant 0 : i32
      %dma_wait3A_903 = tpu.memref_slice %arg3[%dma_wait3A_901, %add3A_695, %dma_wait3A_902] : memref<1063x128x128xf32, #tpu.memory_space<hbm>> -> memref<168x1x128xf32, #tpu.memory_space<hbm>>
      %dma_wait3A_904 = tpu.memref_squeeze %dma_wait3A_903 : memref<168x1x128xf32, #tpu.memory_space<hbm>> -> memref<168x128xf32, #tpu.memory_space<hbm>>
      %dma_wait3A_905 = arith.constant 0 : i32
      %dma_wait3A_906 = arith.constant 0 : i32
      %dma_wait3A_907 = tpu.memref_slice %arg6[%dma_wait3A_905, %dma_wait3A_906] : memref<448x128xf32, #tpu.memory_space<vmem>> -> memref<168x128xf32, #tpu.memory_space<vmem>>
      tpu.wait_dma2 semaphore(%run_scoped3A : memref<!tpu.dma_semaphore, #tpu.memory_space<semaphore_mem>>) src(%dma_wait3A_907 : memref<168x128xf32, #tpu.memory_space<vmem>>) dst(%dma_wait3A_904 : memref<168x128xf32, #tpu.memory_space<hbm>>)
      tpu.yield
    }) : () -> ()
    %mul3A_696 = arith.constant 4 : i32
    %mul3A_697 = arith.muli %add3A, %mul3A_696 : i32
    %add3A_698 = arith.constant 1 : i32
    %add3A_699 = arith.addi %mul3A_697, %add3A_698 : i32
    "tpu.region"() ({
      %run_scoped3A = tpu.sem_alloc : memref<!tpu.dma_semaphore, #tpu.memory_space<semaphore_mem>>
      %dma_start3A_880 = arith.constant 0 : i32
      %dma_start3A_881 = arith.constant 0 : i32
      %dma_start3A_882 = tpu.memref_slice %arg6[%dma_start3A_880, %dma_start3A_881] : memref<448x128xf32, #tpu.memory_space<vmem>> -> memref<168x128xf32, #tpu.memory_space<vmem>>
      %dma_start3A_883 = arith.constant 895 : i32
      %dma_start3A_884 = arith.constant 0 : i32
      %dma_start3A_885 = tpu.memref_slice %arg4[%dma_start3A_883, %add3A_699, %dma_start3A_884] : memref<1063x128x128xf32, #tpu.memory_space<hbm>> -> memref<168x1x128xf32, #tpu.memory_space<hbm>>
      %dma_start3A_886 = tpu.memref_squeeze %dma_start3A_885 : memref<168x1x128xf32, #tpu.memory_space<hbm>> -> memref<168x128xf32, #tpu.memory_space<hbm>>
      %dma_start3A_887 = arith.constant 895 : i32
      %dma_start3A_888 = arith.constant 0 : i32
      %dma_start3A_889 = tpu.memref_slice %arg4[%dma_start3A_887, %add3A_699, %dma_start3A_888] : memref<1063x128x128xf32, #tpu.memory_space<hbm>> -> memref<168x1x128xf32, #tpu.memory_space<hbm>>
      %dma_start3A_890 = tpu.memref_squeeze %dma_start3A_889 : memref<168x1x128xf32, #tpu.memory_space<hbm>> -> memref<168x128xf32, #tpu.memory_space<hbm>>
      %dma_start3A_891 = arith.constant 0 : i32
      %dma_start3A_892 = arith.constant 0 : i32
      %dma_start3A_893 = tpu.memref_slice %arg6[%dma_start3A_891, %dma_start3A_892] : memref<448x128xf32, #tpu.memory_space<vmem>> -> memref<168x128xf32, #tpu.memory_space<vmem>>
      tpu.enqueue_dma source(%dma_start3A_893 : memref<168x128xf32, #tpu.memory_space<vmem>>) target(%dma_start3A_890 : memref<168x128xf32, #tpu.memory_space<hbm>>) target_semaphore(%run_scoped3A : memref<!tpu.dma_semaphore, #tpu.memory_space<semaphore_mem>>)
      %dma_wait3A_894 = arith.constant 0 : i32
      %dma_wait3A_895 = arith.constant 0 : i32
      %dma_wait3A_896 = tpu.memref_slice %arg6[%dma_wait3A_894, %dma_wait3A_895] : memref<448x128xf32, #tpu.memory_space<vmem>> -> memref<168x128xf32, #tpu.memory_space<vmem>>
      %dma_wait3A_897 = arith.constant 895 : i32
      %dma_wait3A_898 = arith.constant 0 : i32
      %dma_wait3A_899 = tpu.memref_slice %arg4[%dma_wait3A_897, %add3A_699, %dma_wait3A_898] : memref<1063x128x128xf32, #tpu.memory_space<hbm>> -> memref<168x1x128xf32, #tpu.memory_space<hbm>>
      %dma_wait3A_900 = tpu.memref_squeeze %dma_wait3A_899 : memref<168x1x128xf32, #tpu.memory_space<hbm>> -> memref<168x128xf32, #tpu.memory_space<hbm>>
      %dma_wait3A_901 = arith.constant 895 : i32
      %dma_wait3A_902 = arith.constant 0 : i32
      %dma_wait3A_903 = tpu.memref_slice %arg4[%dma_wait3A_901, %add3A_699, %dma_wait3A_902] : memref<1063x128x128xf32, #tpu.memory_space<hbm>> -> memref<168x1x128xf32, #tpu.memory_space<hbm>>
      %dma_wait3A_904 = tpu.memref_squeeze %dma_wait3A_903 : memref<168x1x128xf32, #tpu.memory_space<hbm>> -> memref<168x128xf32, #tpu.memory_space<hbm>>
      %dma_wait3A_905 = arith.constant 0 : i32
      %dma_wait3A_906 = arith.constant 0 : i32
      %dma_wait3A_907 = tpu.memref_slice %arg6[%dma_wait3A_905, %dma_wait3A_906] : memref<448x128xf32, #tpu.memory_space<vmem>> -> memref<168x128xf32, #tpu.memory_space<vmem>>
      tpu.wait_dma2 semaphore(%run_scoped3A : memref<!tpu.dma_semaphore, #tpu.memory_space<semaphore_mem>>) src(%dma_wait3A_907 : memref<168x128xf32, #tpu.memory_space<vmem>>) dst(%dma_wait3A_904 : memref<168x128xf32, #tpu.memory_space<hbm>>)
      tpu.yield
    }) : () -> ()
    %add3A_700 = arith.constant 0 : i32
    %add3A_701 = arith.addi %select_n3A_372, %add3A_700 : i32
    %dma_wait3A_702 = arith.constant 0 : i32
    %dma_wait3A_703 = arith.constant 0 : i32
    %dma_wait3A_704 = tpu.memref_slice %arg5[%dma_wait3A_702, %dma_wait3A_703] : memref<448x128xf32, #tpu.memory_space<vmem>> -> memref<448x128xf32, #tpu.memory_space<vmem>>
    %dma_wait3A_705 = arith.constant 0 : i32
    %dma_wait3A_706 = tpu.memref_slice %arg2[%add3A_701, %dma_wait3A_705] : memref<262144x128xf32, #tpu.memory_space<hbm>> -> memref<448x128xf32, #tpu.memory_space<hbm>>
    %dma_wait3A_707 = arith.constant 0 : i32
    %dma_wait3A_708 = arith.constant 0 : i32
    %dma_wait3A_709 = tpu.memref_slice %arg5[%dma_wait3A_707, %dma_wait3A_708] : memref<448x128xf32, #tpu.memory_space<vmem>> -> memref<448x128xf32, #tpu.memory_space<vmem>>
    %dma_wait3A_710 = arith.constant 0 : i32
    %dma_wait3A_711 = tpu.memref_slice %arg2[%add3A_701, %dma_wait3A_710] : memref<262144x128xf32, #tpu.memory_space<hbm>> -> memref<448x128xf32, #tpu.memory_space<hbm>>
    tpu.wait_dma2 semaphore(%arg7 : memref<!tpu.dma_semaphore, #tpu.memory_space<semaphore_mem>>) src(%dma_wait3A_711 : memref<448x128xf32, #tpu.memory_space<hbm>>) dst(%dma_wait3A_709 : memref<448x128xf32, #tpu.memory_space<vmem>>)
    %add3A_712 = arith.constant 448 : i32
    %add3A_713 = arith.addi %select_n3A_372, %add3A_712 : i32
    %dma_start3A_714 = arith.constant 0 : i32
    %dma_start3A_715 = arith.constant 0 : i32
    %dma_start3A_716 = tpu.memref_slice %arg6[%dma_start3A_714, %dma_start3A_715] : memref<448x128xf32, #tpu.memory_space<vmem>> -> memref<448x128xf32, #tpu.memory_space<vmem>>
    %dma_start3A_717 = arith.constant 0 : i32
    %dma_start3A_718 = tpu.memref_slice %arg2[%add3A_713, %dma_start3A_717] : memref<262144x128xf32, #tpu.memory_space<hbm>> -> memref<448x128xf32, #tpu.memory_space<hbm>>
    %dma_start3A_719 = arith.constant 0 : i32
    %dma_start3A_720 = arith.constant 0 : i32
    %dma_start3A_721 = tpu.memref_slice %arg6[%dma_start3A_719, %dma_start3A_720] : memref<448x128xf32, #tpu.memory_space<vmem>> -> memref<448x128xf32, #tpu.memory_space<vmem>>
    %dma_start3A_722 = arith.constant 0 : i32
    %dma_start3A_723 = tpu.memref_slice %arg2[%add3A_713, %dma_start3A_722] : memref<262144x128xf32, #tpu.memory_space<hbm>> -> memref<448x128xf32, #tpu.memory_space<hbm>>
    tpu.enqueue_dma source(%dma_start3A_723 : memref<448x128xf32, #tpu.memory_space<hbm>>) target(%dma_start3A_721 : memref<448x128xf32, #tpu.memory_space<vmem>>) target_semaphore(%arg8 : memref<!tpu.dma_semaphore, #tpu.memory_space<semaphore_mem>>)
    %mul3A_724 = arith.constant 4 : i32
    %mul3A_725 = arith.muli %add3A, %mul3A_724 : i32
    %add3A_726 = arith.constant 2 : i32
    %add3A_727 = arith.addi %mul3A_725, %add3A_726 : i32
    "tpu.region"() ({
      %run_scoped3A = tpu.sem_alloc : memref<!tpu.dma_semaphore, #tpu.memory_space<semaphore_mem>>
      %dma_start3A_880 = arith.constant 0 : i32
      %dma_start3A_881 = arith.constant 0 : i32
      %dma_start3A_882 = tpu.memref_slice %arg5[%dma_start3A_880, %dma_start3A_881] : memref<448x128xf32, #tpu.memory_space<vmem>> -> memref<448x128xf32, #tpu.memory_space<vmem>>
      %dma_start3A_883 = arith.constant 0 : i32
      %dma_start3A_884 = arith.constant 0 : i32
      %dma_start3A_885 = tpu.memref_slice %arg3[%dma_start3A_883, %add3A_727, %dma_start3A_884] : memref<1063x128x128xf32, #tpu.memory_space<hbm>> -> memref<448x1x128xf32, #tpu.memory_space<hbm>>
      %dma_start3A_886 = tpu.memref_squeeze %dma_start3A_885 : memref<448x1x128xf32, #tpu.memory_space<hbm>> -> memref<448x128xf32, #tpu.memory_space<hbm>>
      %dma_start3A_887 = arith.constant 0 : i32
      %dma_start3A_888 = arith.constant 0 : i32
      %dma_start3A_889 = tpu.memref_slice %arg3[%dma_start3A_887, %add3A_727, %dma_start3A_888] : memref<1063x128x128xf32, #tpu.memory_space<hbm>> -> memref<448x1x128xf32, #tpu.memory_space<hbm>>
      %dma_start3A_890 = tpu.memref_squeeze %dma_start3A_889 : memref<448x1x128xf32, #tpu.memory_space<hbm>> -> memref<448x128xf32, #tpu.memory_space<hbm>>
      %dma_start3A_891 = arith.constant 0 : i32
      %dma_start3A_892 = arith.constant 0 : i32
      %dma_start3A_893 = tpu.memref_slice %arg5[%dma_start3A_891, %dma_start3A_892] : memref<448x128xf32, #tpu.memory_space<vmem>> -> memref<448x128xf32, #tpu.memory_space<vmem>>
      tpu.enqueue_dma source(%dma_start3A_893 : memref<448x128xf32, #tpu.memory_space<vmem>>) target(%dma_start3A_890 : memref<448x128xf32, #tpu.memory_space<hbm>>) target_semaphore(%run_scoped3A : memref<!tpu.dma_semaphore, #tpu.memory_space<semaphore_mem>>)
      %dma_wait3A_894 = arith.constant 0 : i32
      %dma_wait3A_895 = arith.constant 0 : i32
      %dma_wait3A_896 = tpu.memref_slice %arg5[%dma_wait3A_894, %dma_wait3A_895] : memref<448x128xf32, #tpu.memory_space<vmem>> -> memref<448x128xf32, #tpu.memory_space<vmem>>
      %dma_wait3A_897 = arith.constant 0 : i32
      %dma_wait3A_898 = arith.constant 0 : i32
      %dma_wait3A_899 = tpu.memref_slice %arg3[%dma_wait3A_897, %add3A_727, %dma_wait3A_898] : memref<1063x128x128xf32, #tpu.memory_space<hbm>> -> memref<448x1x128xf32, #tpu.memory_space<hbm>>
      %dma_wait3A_900 = tpu.memref_squeeze %dma_wait3A_899 : memref<448x1x128xf32, #tpu.memory_space<hbm>> -> memref<448x128xf32, #tpu.memory_space<hbm>>
      %dma_wait3A_901 = arith.constant 0 : i32
      %dma_wait3A_902 = arith.constant 0 : i32
      %dma_wait3A_903 = tpu.memref_slice %arg3[%dma_wait3A_901, %add3A_727, %dma_wait3A_902] : memref<1063x128x128xf32, #tpu.memory_space<hbm>> -> memref<448x1x128xf32, #tpu.memory_space<hbm>>
      %dma_wait3A_904 = tpu.memref_squeeze %dma_wait3A_903 : memref<448x1x128xf32, #tpu.memory_space<hbm>> -> memref<448x128xf32, #tpu.memory_space<hbm>>
      %dma_wait3A_905 = arith.constant 0 : i32
      %dma_wait3A_906 = arith.constant 0 : i32
      %dma_wait3A_907 = tpu.memref_slice %arg5[%dma_wait3A_905, %dma_wait3A_906] : memref<448x128xf32, #tpu.memory_space<vmem>> -> memref<448x128xf32, #tpu.memory_space<vmem>>
      tpu.wait_dma2 semaphore(%run_scoped3A : memref<!tpu.dma_semaphore, #tpu.memory_space<semaphore_mem>>) src(%dma_wait3A_907 : memref<448x128xf32, #tpu.memory_space<vmem>>) dst(%dma_wait3A_904 : memref<448x128xf32, #tpu.memory_space<hbm>>)
      tpu.yield
    }) : () -> ()
    %mul3A_728 = arith.constant 4 : i32
    %mul3A_729 = arith.muli %add3A, %mul3A_728 : i32
    %add3A_730 = arith.constant 2 : i32
    %add3A_731 = arith.addi %mul3A_729, %add3A_730 : i32
    "tpu.region"() ({
      %run_scoped3A = tpu.sem_alloc : memref<!tpu.dma_semaphore, #tpu.memory_space<semaphore_mem>>
      %dma_start3A_880 = arith.constant 0 : i32
      %dma_start3A_881 = arith.constant 0 : i32
      %dma_start3A_882 = tpu.memref_slice %arg5[%dma_start3A_880, %dma_start3A_881] : memref<448x128xf32, #tpu.memory_space<vmem>> -> memref<448x128xf32, #tpu.memory_space<vmem>>
      %dma_start3A_883 = arith.constant 0 : i32
      %dma_start3A_884 = arith.constant 0 : i32
      %dma_start3A_885 = tpu.memref_slice %arg4[%dma_start3A_883, %add3A_731, %dma_start3A_884] : memref<1063x128x128xf32, #tpu.memory_space<hbm>> -> memref<448x1x128xf32, #tpu.memory_space<hbm>>
      %dma_start3A_886 = tpu.memref_squeeze %dma_start3A_885 : memref<448x1x128xf32, #tpu.memory_space<hbm>> -> memref<448x128xf32, #tpu.memory_space<hbm>>
      %dma_start3A_887 = arith.constant 0 : i32
      %dma_start3A_888 = arith.constant 0 : i32
      %dma_start3A_889 = tpu.memref_slice %arg4[%dma_start3A_887, %add3A_731, %dma_start3A_888] : memref<1063x128x128xf32, #tpu.memory_space<hbm>> -> memref<448x1x128xf32, #tpu.memory_space<hbm>>
      %dma_start3A_890 = tpu.memref_squeeze %dma_start3A_889 : memref<448x1x128xf32, #tpu.memory_space<hbm>> -> memref<448x128xf32, #tpu.memory_space<hbm>>
      %dma_start3A_891 = arith.constant 0 : i32
      %dma_start3A_892 = arith.constant 0 : i32
      %dma_start3A_893 = tpu.memref_slice %arg5[%dma_start3A_891, %dma_start3A_892] : memref<448x128xf32, #tpu.memory_space<vmem>> -> memref<448x128xf32, #tpu.memory_space<vmem>>
      tpu.enqueue_dma source(%dma_start3A_893 : memref<448x128xf32, #tpu.memory_space<vmem>>) target(%dma_start3A_890 : memref<448x128xf32, #tpu.memory_space<hbm>>) target_semaphore(%run_scoped3A : memref<!tpu.dma_semaphore, #tpu.memory_space<semaphore_mem>>)
      %dma_wait3A_894 = arith.constant 0 : i32
      %dma_wait3A_895 = arith.constant 0 : i32
      %dma_wait3A_896 = tpu.memref_slice %arg5[%dma_wait3A_894, %dma_wait3A_895] : memref<448x128xf32, #tpu.memory_space<vmem>> -> memref<448x128xf32, #tpu.memory_space<vmem>>
      %dma_wait3A_897 = arith.constant 0 : i32
      %dma_wait3A_898 = arith.constant 0 : i32
      %dma_wait3A_899 = tpu.memref_slice %arg4[%dma_wait3A_897, %add3A_731, %dma_wait3A_898] : memref<1063x128x128xf32, #tpu.memory_space<hbm>> -> memref<448x1x128xf32, #tpu.memory_space<hbm>>
      %dma_wait3A_900 = tpu.memref_squeeze %dma_wait3A_899 : memref<448x1x128xf32, #tpu.memory_space<hbm>> -> memref<448x128xf32, #tpu.memory_space<hbm>>
      %dma_wait3A_901 = arith.constant 0 : i32
      %dma_wait3A_902 = arith.constant 0 : i32
      %dma_wait3A_903 = tpu.memref_slice %arg4[%dma_wait3A_901, %add3A_731, %dma_wait3A_902] : memref<1063x128x128xf32, #tpu.memory_space<hbm>> -> memref<448x1x128xf32, #tpu.memory_space<hbm>>
      %dma_wait3A_904 = tpu.memref_squeeze %dma_wait3A_903 : memref<448x1x128xf32, #tpu.memory_space<hbm>> -> memref<448x128xf32, #tpu.memory_space<hbm>>
      %dma_wait3A_905 = arith.constant 0 : i32
      %dma_wait3A_906 = arith.constant 0 : i32
      %dma_wait3A_907 = tpu.memref_slice %arg5[%dma_wait3A_905, %dma_wait3A_906] : memref<448x128xf32, #tpu.memory_space<vmem>> -> memref<448x128xf32, #tpu.memory_space<vmem>>
      tpu.wait_dma2 semaphore(%run_scoped3A : memref<!tpu.dma_semaphore, #tpu.memory_space<semaphore_mem>>) src(%dma_wait3A_907 : memref<448x128xf32, #tpu.memory_space<vmem>>) dst(%dma_wait3A_904 : memref<448x128xf32, #tpu.memory_space<hbm>>)
      tpu.yield
    }) : () -> ()
    %add3A_732 = arith.constant 448 : i32
    %add3A_733 = arith.addi %select_n3A_372, %add3A_732 : i32
    %dma_wait3A_734 = arith.constant 0 : i32
    %dma_wait3A_735 = arith.constant 0 : i32
    %dma_wait3A_736 = tpu.memref_slice %arg6[%dma_wait3A_734, %dma_wait3A_735] : memref<448x128xf32, #tpu.memory_space<vmem>> -> memref<448x128xf32, #tpu.memory_space<vmem>>
    %dma_wait3A_737 = arith.constant 0 : i32
    %dma_wait3A_738 = tpu.memref_slice %arg2[%add3A_733, %dma_wait3A_737] : memref<262144x128xf32, #tpu.memory_space<hbm>> -> memref<448x128xf32, #tpu.memory_space<hbm>>
    %dma_wait3A_739 = arith.constant 0 : i32
    %dma_wait3A_740 = arith.constant 0 : i32
    %dma_wait3A_741 = tpu.memref_slice %arg6[%dma_wait3A_739, %dma_wait3A_740] : memref<448x128xf32, #tpu.memory_space<vmem>> -> memref<448x128xf32, #tpu.memory_space<vmem>>
    %dma_wait3A_742 = arith.constant 0 : i32
    %dma_wait3A_743 = tpu.memref_slice %arg2[%add3A_733, %dma_wait3A_742] : memref<262144x128xf32, #tpu.memory_space<hbm>> -> memref<448x128xf32, #tpu.memory_space<hbm>>
    tpu.wait_dma2 semaphore(%arg8 : memref<!tpu.dma_semaphore, #tpu.memory_space<semaphore_mem>>) src(%dma_wait3A_743 : memref<448x128xf32, #tpu.memory_space<hbm>>) dst(%dma_wait3A_741 : memref<448x128xf32, #tpu.memory_space<vmem>>)
    %add3A_744 = arith.constant 895 : i32
    %add3A_745 = arith.addi %select_n3A_372, %add3A_744 : i32
    %dma_start3A_746 = arith.constant 0 : i32
    %dma_start3A_747 = arith.constant 0 : i32
    %dma_start3A_748 = tpu.memref_slice %arg5[%dma_start3A_746, %dma_start3A_747] : memref<448x128xf32, #tpu.memory_space<vmem>> -> memref<168x128xf32, #tpu.memory_space<vmem>>
    %dma_start3A_749 = arith.constant 0 : i32
    %dma_start3A_750 = tpu.memref_slice %arg2[%add3A_745, %dma_start3A_749] : memref<262144x128xf32, #tpu.memory_space<hbm>> -> memref<168x128xf32, #tpu.memory_space<hbm>>
    %dma_start3A_751 = arith.constant 0 : i32
    %dma_start3A_752 = arith.constant 0 : i32
    %dma_start3A_753 = tpu.memref_slice %arg5[%dma_start3A_751, %dma_start3A_752] : memref<448x128xf32, #tpu.memory_space<vmem>> -> memref<168x128xf32, #tpu.memory_space<vmem>>
    %dma_start3A_754 = arith.constant 0 : i32
    %dma_start3A_755 = tpu.memref_slice %arg2[%add3A_745, %dma_start3A_754] : memref<262144x128xf32, #tpu.memory_space<hbm>> -> memref<168x128xf32, #tpu.memory_space<hbm>>
    tpu.enqueue_dma source(%dma_start3A_755 : memref<168x128xf32, #tpu.memory_space<hbm>>) target(%dma_start3A_753 : memref<168x128xf32, #tpu.memory_space<vmem>>) target_semaphore(%arg7 : memref<!tpu.dma_semaphore, #tpu.memory_space<semaphore_mem>>)
    %mul3A_756 = arith.constant 4 : i32
    %mul3A_757 = arith.muli %add3A, %mul3A_756 : i32
    %add3A_758 = arith.constant 2 : i32
    %add3A_759 = arith.addi %mul3A_757, %add3A_758 : i32
    "tpu.region"() ({
      %run_scoped3A = tpu.sem_alloc : memref<!tpu.dma_semaphore, #tpu.memory_space<semaphore_mem>>
      %dma_start3A_880 = arith.constant 0 : i32
      %dma_start3A_881 = arith.constant 0 : i32
      %dma_start3A_882 = tpu.memref_slice %arg6[%dma_start3A_880, %dma_start3A_881] : memref<448x128xf32, #tpu.memory_space<vmem>> -> memref<448x128xf32, #tpu.memory_space<vmem>>
      %dma_start3A_883 = arith.constant 448 : i32
      %dma_start3A_884 = arith.constant 0 : i32
      %dma_start3A_885 = tpu.memref_slice %arg3[%dma_start3A_883, %add3A_759, %dma_start3A_884] : memref<1063x128x128xf32, #tpu.memory_space<hbm>> -> memref<448x1x128xf32, #tpu.memory_space<hbm>>
      %dma_start3A_886 = tpu.memref_squeeze %dma_start3A_885 : memref<448x1x128xf32, #tpu.memory_space<hbm>> -> memref<448x128xf32, #tpu.memory_space<hbm>>
      %dma_start3A_887 = arith.constant 448 : i32
      %dma_start3A_888 = arith.constant 0 : i32
      %dma_start3A_889 = tpu.memref_slice %arg3[%dma_start3A_887, %add3A_759, %dma_start3A_888] : memref<1063x128x128xf32, #tpu.memory_space<hbm>> -> memref<448x1x128xf32, #tpu.memory_space<hbm>>
      %dma_start3A_890 = tpu.memref_squeeze %dma_start3A_889 : memref<448x1x128xf32, #tpu.memory_space<hbm>> -> memref<448x128xf32, #tpu.memory_space<hbm>>
      %dma_start3A_891 = arith.constant 0 : i32
      %dma_start3A_892 = arith.constant 0 : i32
      %dma_start3A_893 = tpu.memref_slice %arg6[%dma_start3A_891, %dma_start3A_892] : memref<448x128xf32, #tpu.memory_space<vmem>> -> memref<448x128xf32, #tpu.memory_space<vmem>>
      tpu.enqueue_dma source(%dma_start3A_893 : memref<448x128xf32, #tpu.memory_space<vmem>>) target(%dma_start3A_890 : memref<448x128xf32, #tpu.memory_space<hbm>>) target_semaphore(%run_scoped3A : memref<!tpu.dma_semaphore, #tpu.memory_space<semaphore_mem>>)
      %dma_wait3A_894 = arith.constant 0 : i32
      %dma_wait3A_895 = arith.constant 0 : i32
      %dma_wait3A_896 = tpu.memref_slice %arg6[%dma_wait3A_894, %dma_wait3A_895] : memref<448x128xf32, #tpu.memory_space<vmem>> -> memref<448x128xf32, #tpu.memory_space<vmem>>
      %dma_wait3A_897 = arith.constant 448 : i32
      %dma_wait3A_898 = arith.constant 0 : i32
      %dma_wait3A_899 = tpu.memref_slice %arg3[%dma_wait3A_897, %add3A_759, %dma_wait3A_898] : memref<1063x128x128xf32, #tpu.memory_space<hbm>> -> memref<448x1x128xf32, #tpu.memory_space<hbm>>
      %dma_wait3A_900 = tpu.memref_squeeze %dma_wait3A_899 : memref<448x1x128xf32, #tpu.memory_space<hbm>> -> memref<448x128xf32, #tpu.memory_space<hbm>>
      %dma_wait3A_901 = arith.constant 448 : i32
      %dma_wait3A_902 = arith.constant 0 : i32
      %dma_wait3A_903 = tpu.memref_slice %arg3[%dma_wait3A_901, %add3A_759, %dma_wait3A_902] : memref<1063x128x128xf32, #tpu.memory_space<hbm>> -> memref<448x1x128xf32, #tpu.memory_space<hbm>>
      %dma_wait3A_904 = tpu.memref_squeeze %dma_wait3A_903 : memref<448x1x128xf32, #tpu.memory_space<hbm>> -> memref<448x128xf32, #tpu.memory_space<hbm>>
      %dma_wait3A_905 = arith.constant 0 : i32
      %dma_wait3A_906 = arith.constant 0 : i32
      %dma_wait3A_907 = tpu.memref_slice %arg6[%dma_wait3A_905, %dma_wait3A_906] : memref<448x128xf32, #tpu.memory_space<vmem>> -> memref<448x128xf32, #tpu.memory_space<vmem>>
      tpu.wait_dma2 semaphore(%run_scoped3A : memref<!tpu.dma_semaphore, #tpu.memory_space<semaphore_mem>>) src(%dma_wait3A_907 : memref<448x128xf32, #tpu.memory_space<vmem>>) dst(%dma_wait3A_904 : memref<448x128xf32, #tpu.memory_space<hbm>>)
      tpu.yield
    }) : () -> ()
    %mul3A_760 = arith.constant 4 : i32
    %mul3A_761 = arith.muli %add3A, %mul3A_760 : i32
    %add3A_762 = arith.constant 2 : i32
    %add3A_763 = arith.addi %mul3A_761, %add3A_762 : i32
    "tpu.region"() ({
      %run_scoped3A = tpu.sem_alloc : memref<!tpu.dma_semaphore, #tpu.memory_space<semaphore_mem>>
      %dma_start3A_880 = arith.constant 0 : i32
      %dma_start3A_881 = arith.constant 0 : i32
      %dma_start3A_882 = tpu.memref_slice %arg6[%dma_start3A_880, %dma_start3A_881] : memref<448x128xf32, #tpu.memory_space<vmem>> -> memref<448x128xf32, #tpu.memory_space<vmem>>
      %dma_start3A_883 = arith.constant 448 : i32
      %dma_start3A_884 = arith.constant 0 : i32
      %dma_start3A_885 = tpu.memref_slice %arg4[%dma_start3A_883, %add3A_763, %dma_start3A_884] : memref<1063x128x128xf32, #tpu.memory_space<hbm>> -> memref<448x1x128xf32, #tpu.memory_space<hbm>>
      %dma_start3A_886 = tpu.memref_squeeze %dma_start3A_885 : memref<448x1x128xf32, #tpu.memory_space<hbm>> -> memref<448x128xf32, #tpu.memory_space<hbm>>
      %dma_start3A_887 = arith.constant 448 : i32
      %dma_start3A_888 = arith.constant 0 : i32
      %dma_start3A_889 = tpu.memref_slice %arg4[%dma_start3A_887, %add3A_763, %dma_start3A_888] : memref<1063x128x128xf32, #tpu.memory_space<hbm>> -> memref<448x1x128xf32, #tpu.memory_space<hbm>>
      %dma_start3A_890 = tpu.memref_squeeze %dma_start3A_889 : memref<448x1x128xf32, #tpu.memory_space<hbm>> -> memref<448x128xf32, #tpu.memory_space<hbm>>
      %dma_start3A_891 = arith.constant 0 : i32
      %dma_start3A_892 = arith.constant 0 : i32
      %dma_start3A_893 = tpu.memref_slice %arg6[%dma_start3A_891, %dma_start3A_892] : memref<448x128xf32, #tpu.memory_space<vmem>> -> memref<448x128xf32, #tpu.memory_space<vmem>>
      tpu.enqueue_dma source(%dma_start3A_893 : memref<448x128xf32, #tpu.memory_space<vmem>>) target(%dma_start3A_890 : memref<448x128xf32, #tpu.memory_space<hbm>>) target_semaphore(%run_scoped3A : memref<!tpu.dma_semaphore, #tpu.memory_space<semaphore_mem>>)
      %dma_wait3A_894 = arith.constant 0 : i32
      %dma_wait3A_895 = arith.constant 0 : i32
      %dma_wait3A_896 = tpu.memref_slice %arg6[%dma_wait3A_894, %dma_wait3A_895] : memref<448x128xf32, #tpu.memory_space<vmem>> -> memref<448x128xf32, #tpu.memory_space<vmem>>
      %dma_wait3A_897 = arith.constant 448 : i32
      %dma_wait3A_898 = arith.constant 0 : i32
      %dma_wait3A_899 = tpu.memref_slice %arg4[%dma_wait3A_897, %add3A_763, %dma_wait3A_898] : memref<1063x128x128xf32, #tpu.memory_space<hbm>> -> memref<448x1x128xf32, #tpu.memory_space<hbm>>
      %dma_wait3A_900 = tpu.memref_squeeze %dma_wait3A_899 : memref<448x1x128xf32, #tpu.memory_space<hbm>> -> memref<448x128xf32, #tpu.memory_space<hbm>>
      %dma_wait3A_901 = arith.constant 448 : i32
      %dma_wait3A_902 = arith.constant 0 : i32
      %dma_wait3A_903 = tpu.memref_slice %arg4[%dma_wait3A_901, %add3A_763, %dma_wait3A_902] : memref<1063x128x128xf32, #tpu.memory_space<hbm>> -> memref<448x1x128xf32, #tpu.memory_space<hbm>>
      %dma_wait3A_904 = tpu.memref_squeeze %dma_wait3A_903 : memref<448x1x128xf32, #tpu.memory_space<hbm>> -> memref<448x128xf32, #tpu.memory_space<hbm>>
      %dma_wait3A_905 = arith.constant 0 : i32
      %dma_wait3A_906 = arith.constant 0 : i32
      %dma_wait3A_907 = tpu.memref_slice %arg6[%dma_wait3A_905, %dma_wait3A_906] : memref<448x128xf32, #tpu.memory_space<vmem>> -> memref<448x128xf32, #tpu.memory_space<vmem>>
      tpu.wait_dma2 semaphore(%run_scoped3A : memref<!tpu.dma_semaphore, #tpu.memory_space<semaphore_mem>>) src(%dma_wait3A_907 : memref<448x128xf32, #tpu.memory_space<vmem>>) dst(%dma_wait3A_904 : memref<448x128xf32, #tpu.memory_space<hbm>>)
      tpu.yield
    }) : () -> ()
    %add3A_764 = arith.constant 895 : i32
    %add3A_765 = arith.addi %select_n3A_372, %add3A_764 : i32
    %dma_wait3A_766 = arith.constant 0 : i32
    %dma_wait3A_767 = arith.constant 0 : i32
    %dma_wait3A_768 = tpu.memref_slice %arg5[%dma_wait3A_766, %dma_wait3A_767] : memref<448x128xf32, #tpu.memory_space<vmem>> -> memref<168x128xf32, #tpu.memory_space<vmem>>
    %dma_wait3A_769 = arith.constant 0 : i32
    %dma_wait3A_770 = tpu.memref_slice %arg2[%add3A_765, %dma_wait3A_769] : memref<262144x128xf32, #tpu.memory_space<hbm>> -> memref<168x128xf32, #tpu.memory_space<hbm>>
    %dma_wait3A_771 = arith.constant 0 : i32
    %dma_wait3A_772 = arith.constant 0 : i32
    %dma_wait3A_773 = tpu.memref_slice %arg5[%dma_wait3A_771, %dma_wait3A_772] : memref<448x128xf32, #tpu.memory_space<vmem>> -> memref<168x128xf32, #tpu.memory_space<vmem>>
    %dma_wait3A_774 = arith.constant 0 : i32
    %dma_wait3A_775 = tpu.memref_slice %arg2[%add3A_765, %dma_wait3A_774] : memref<262144x128xf32, #tpu.memory_space<hbm>> -> memref<168x128xf32, #tpu.memory_space<hbm>>
    tpu.wait_dma2 semaphore(%arg7 : memref<!tpu.dma_semaphore, #tpu.memory_space<semaphore_mem>>) src(%dma_wait3A_775 : memref<168x128xf32, #tpu.memory_space<hbm>>) dst(%dma_wait3A_773 : memref<168x128xf32, #tpu.memory_space<vmem>>)
    %add3A_776 = arith.constant 0 : i32
    %add3A_777 = arith.addi %select_n3A_497, %add3A_776 : i32
    %dma_start3A_778 = arith.constant 0 : i32
    %dma_start3A_779 = arith.constant 0 : i32
    %dma_start3A_780 = tpu.memref_slice %arg6[%dma_start3A_778, %dma_start3A_779] : memref<448x128xf32, #tpu.memory_space<vmem>> -> memref<448x128xf32, #tpu.memory_space<vmem>>
    %dma_start3A_781 = arith.constant 0 : i32
    %dma_start3A_782 = tpu.memref_slice %arg2[%add3A_777, %dma_start3A_781] : memref<262144x128xf32, #tpu.memory_space<hbm>> -> memref<448x128xf32, #tpu.memory_space<hbm>>
    %dma_start3A_783 = arith.constant 0 : i32
    %dma_start3A_784 = arith.constant 0 : i32
    %dma_start3A_785 = tpu.memref_slice %arg6[%dma_start3A_783, %dma_start3A_784] : memref<448x128xf32, #tpu.memory_space<vmem>> -> memref<448x128xf32, #tpu.memory_space<vmem>>
    %dma_start3A_786 = arith.constant 0 : i32
    %dma_start3A_787 = tpu.memref_slice %arg2[%add3A_777, %dma_start3A_786] : memref<262144x128xf32, #tpu.memory_space<hbm>> -> memref<448x128xf32, #tpu.memory_space<hbm>>
    tpu.enqueue_dma source(%dma_start3A_787 : memref<448x128xf32, #tpu.memory_space<hbm>>) target(%dma_start3A_785 : memref<448x128xf32, #tpu.memory_space<vmem>>) target_semaphore(%arg8 : memref<!tpu.dma_semaphore, #tpu.memory_space<semaphore_mem>>)
    %mul3A_788 = arith.constant 4 : i32
    %mul3A_789 = arith.muli %add3A, %mul3A_788 : i32
    %add3A_790 = arith.constant 2 : i32
    %add3A_791 = arith.addi %mul3A_789, %add3A_790 : i32
    "tpu.region"() ({
      %run_scoped3A = tpu.sem_alloc : memref<!tpu.dma_semaphore, #tpu.memory_space<semaphore_mem>>
      %dma_start3A_880 = arith.constant 0 : i32
      %dma_start3A_881 = arith.constant 0 : i32
      %dma_start3A_882 = tpu.memref_slice %arg5[%dma_start3A_880, %dma_start3A_881] : memref<448x128xf32, #tpu.memory_space<vmem>> -> memref<168x128xf32, #tpu.memory_space<vmem>>
      %dma_start3A_883 = arith.constant 895 : i32
      %dma_start3A_884 = arith.constant 0 : i32
      %dma_start3A_885 = tpu.memref_slice %arg3[%dma_start3A_883, %add3A_791, %dma_start3A_884] : memref<1063x128x128xf32, #tpu.memory_space<hbm>> -> memref<168x1x128xf32, #tpu.memory_space<hbm>>
      %dma_start3A_886 = tpu.memref_squeeze %dma_start3A_885 : memref<168x1x128xf32, #tpu.memory_space<hbm>> -> memref<168x128xf32, #tpu.memory_space<hbm>>
      %dma_start3A_887 = arith.constant 895 : i32
      %dma_start3A_888 = arith.constant 0 : i32
      %dma_start3A_889 = tpu.memref_slice %arg3[%dma_start3A_887, %add3A_791, %dma_start3A_888] : memref<1063x128x128xf32, #tpu.memory_space<hbm>> -> memref<168x1x128xf32, #tpu.memory_space<hbm>>
      %dma_start3A_890 = tpu.memref_squeeze %dma_start3A_889 : memref<168x1x128xf32, #tpu.memory_space<hbm>> -> memref<168x128xf32, #tpu.memory_space<hbm>>
      %dma_start3A_891 = arith.constant 0 : i32
      %dma_start3A_892 = arith.constant 0 : i32
      %dma_start3A_893 = tpu.memref_slice %arg5[%dma_start3A_891, %dma_start3A_892] : memref<448x128xf32, #tpu.memory_space<vmem>> -> memref<168x128xf32, #tpu.memory_space<vmem>>
      tpu.enqueue_dma source(%dma_start3A_893 : memref<168x128xf32, #tpu.memory_space<vmem>>) target(%dma_start3A_890 : memref<168x128xf32, #tpu.memory_space<hbm>>) target_semaphore(%run_scoped3A : memref<!tpu.dma_semaphore, #tpu.memory_space<semaphore_mem>>)
      %dma_wait3A_894 = arith.constant 0 : i32
      %dma_wait3A_895 = arith.constant 0 : i32
      %dma_wait3A_896 = tpu.memref_slice %arg5[%dma_wait3A_894, %dma_wait3A_895] : memref<448x128xf32, #tpu.memory_space<vmem>> -> memref<168x128xf32, #tpu.memory_space<vmem>>
      %dma_wait3A_897 = arith.constant 895 : i32
      %dma_wait3A_898 = arith.constant 0 : i32
      %dma_wait3A_899 = tpu.memref_slice %arg3[%dma_wait3A_897, %add3A_791, %dma_wait3A_898] : memref<1063x128x128xf32, #tpu.memory_space<hbm>> -> memref<168x1x128xf32, #tpu.memory_space<hbm>>
      %dma_wait3A_900 = tpu.memref_squeeze %dma_wait3A_899 : memref<168x1x128xf32, #tpu.memory_space<hbm>> -> memref<168x128xf32, #tpu.memory_space<hbm>>
      %dma_wait3A_901 = arith.constant 895 : i32
      %dma_wait3A_902 = arith.constant 0 : i32
      %dma_wait3A_903 = tpu.memref_slice %arg3[%dma_wait3A_901, %add3A_791, %dma_wait3A_902] : memref<1063x128x128xf32, #tpu.memory_space<hbm>> -> memref<168x1x128xf32, #tpu.memory_space<hbm>>
      %dma_wait3A_904 = tpu.memref_squeeze %dma_wait3A_903 : memref<168x1x128xf32, #tpu.memory_space<hbm>> -> memref<168x128xf32, #tpu.memory_space<hbm>>
      %dma_wait3A_905 = arith.constant 0 : i32
      %dma_wait3A_906 = arith.constant 0 : i32
      %dma_wait3A_907 = tpu.memref_slice %arg5[%dma_wait3A_905, %dma_wait3A_906] : memref<448x128xf32, #tpu.memory_space<vmem>> -> memref<168x128xf32, #tpu.memory_space<vmem>>
      tpu.wait_dma2 semaphore(%run_scoped3A : memref<!tpu.dma_semaphore, #tpu.memory_space<semaphore_mem>>) src(%dma_wait3A_907 : memref<168x128xf32, #tpu.memory_space<vmem>>) dst(%dma_wait3A_904 : memref<168x128xf32, #tpu.memory_space<hbm>>)
      tpu.yield
    }) : () -> ()
    %mul3A_792 = arith.constant 4 : i32
    %mul3A_793 = arith.muli %add3A, %mul3A_792 : i32
    %add3A_794 = arith.constant 2 : i32
    %add3A_795 = arith.addi %mul3A_793, %add3A_794 : i32
    "tpu.region"() ({
      %run_scoped3A = tpu.sem_alloc : memref<!tpu.dma_semaphore, #tpu.memory_space<semaphore_mem>>
      %dma_start3A_880 = arith.constant 0 : i32
      %dma_start3A_881 = arith.constant 0 : i32
      %dma_start3A_882 = tpu.memref_slice %arg5[%dma_start3A_880, %dma_start3A_881] : memref<448x128xf32, #tpu.memory_space<vmem>> -> memref<168x128xf32, #tpu.memory_space<vmem>>
      %dma_start3A_883 = arith.constant 895 : i32
      %dma_start3A_884 = arith.constant 0 : i32
      %dma_start3A_885 = tpu.memref_slice %arg4[%dma_start3A_883, %add3A_795, %dma_start3A_884] : memref<1063x128x128xf32, #tpu.memory_space<hbm>> -> memref<168x1x128xf32, #tpu.memory_space<hbm>>
      %dma_start3A_886 = tpu.memref_squeeze %dma_start3A_885 : memref<168x1x128xf32, #tpu.memory_space<hbm>> -> memref<168x128xf32, #tpu.memory_space<hbm>>
      %dma_start3A_887 = arith.constant 895 : i32
      %dma_start3A_888 = arith.constant 0 : i32
      %dma_start3A_889 = tpu.memref_slice %arg4[%dma_start3A_887, %add3A_795, %dma_start3A_888] : memref<1063x128x128xf32, #tpu.memory_space<hbm>> -> memref<168x1x128xf32, #tpu.memory_space<hbm>>
      %dma_start3A_890 = tpu.memref_squeeze %dma_start3A_889 : memref<168x1x128xf32, #tpu.memory_space<hbm>> -> memref<168x128xf32, #tpu.memory_space<hbm>>
      %dma_start3A_891 = arith.constant 0 : i32
      %dma_start3A_892 = arith.constant 0 : i32
      %dma_start3A_893 = tpu.memref_slice %arg5[%dma_start3A_891, %dma_start3A_892] : memref<448x128xf32, #tpu.memory_space<vmem>> -> memref<168x128xf32, #tpu.memory_space<vmem>>
      tpu.enqueue_dma source(%dma_start3A_893 : memref<168x128xf32, #tpu.memory_space<vmem>>) target(%dma_start3A_890 : memref<168x128xf32, #tpu.memory_space<hbm>>) target_semaphore(%run_scoped3A : memref<!tpu.dma_semaphore, #tpu.memory_space<semaphore_mem>>)
      %dma_wait3A_894 = arith.constant 0 : i32
      %dma_wait3A_895 = arith.constant 0 : i32
      %dma_wait3A_896 = tpu.memref_slice %arg5[%dma_wait3A_894, %dma_wait3A_895] : memref<448x128xf32, #tpu.memory_space<vmem>> -> memref<168x128xf32, #tpu.memory_space<vmem>>
      %dma_wait3A_897 = arith.constant 895 : i32
      %dma_wait3A_898 = arith.constant 0 : i32
      %dma_wait3A_899 = tpu.memref_slice %arg4[%dma_wait3A_897, %add3A_795, %dma_wait3A_898] : memref<1063x128x128xf32, #tpu.memory_space<hbm>> -> memref<168x1x128xf32, #tpu.memory_space<hbm>>
      %dma_wait3A_900 = tpu.memref_squeeze %dma_wait3A_899 : memref<168x1x128xf32, #tpu.memory_space<hbm>> -> memref<168x128xf32, #tpu.memory_space<hbm>>
      %dma_wait3A_901 = arith.constant 895 : i32
      %dma_wait3A_902 = arith.constant 0 : i32
      %dma_wait3A_903 = tpu.memref_slice %arg4[%dma_wait3A_901, %add3A_795, %dma_wait3A_902] : memref<1063x128x128xf32, #tpu.memory_space<hbm>> -> memref<168x1x128xf32, #tpu.memory_space<hbm>>
      %dma_wait3A_904 = tpu.memref_squeeze %dma_wait3A_903 : memref<168x1x128xf32, #tpu.memory_space<hbm>> -> memref<168x128xf32, #tpu.memory_space<hbm>>
      %dma_wait3A_905 = arith.constant 0 : i32
      %dma_wait3A_906 = arith.constant 0 : i32
      %dma_wait3A_907 = tpu.memref_slice %arg5[%dma_wait3A_905, %dma_wait3A_906] : memref<448x128xf32, #tpu.memory_space<vmem>> -> memref<168x128xf32, #tpu.memory_space<vmem>>
      tpu.wait_dma2 semaphore(%run_scoped3A : memref<!tpu.dma_semaphore, #tpu.memory_space<semaphore_mem>>) src(%dma_wait3A_907 : memref<168x128xf32, #tpu.memory_space<vmem>>) dst(%dma_wait3A_904 : memref<168x128xf32, #tpu.memory_space<hbm>>)
      tpu.yield
    }) : () -> ()
    %add3A_796 = arith.constant 0 : i32
    %add3A_797 = arith.addi %select_n3A_497, %add3A_796 : i32
    %dma_wait3A_798 = arith.constant 0 : i32
    %dma_wait3A_799 = arith.constant 0 : i32
    %dma_wait3A_800 = tpu.memref_slice %arg6[%dma_wait3A_798, %dma_wait3A_799] : memref<448x128xf32, #tpu.memory_space<vmem>> -> memref<448x128xf32, #tpu.memory_space<vmem>>
    %dma_wait3A_801 = arith.constant 0 : i32
    %dma_wait3A_802 = tpu.memref_slice %arg2[%add3A_797, %dma_wait3A_801] : memref<262144x128xf32, #tpu.memory_space<hbm>> -> memref<448x128xf32, #tpu.memory_space<hbm>>
    %dma_wait3A_803 = arith.constant 0 : i32
    %dma_wait3A_804 = arith.constant 0 : i32
    %dma_wait3A_805 = tpu.memref_slice %arg6[%dma_wait3A_803, %dma_wait3A_804] : memref<448x128xf32, #tpu.memory_space<vmem>> -> memref<448x128xf32, #tpu.memory_space<vmem>>
    %dma_wait3A_806 = arith.constant 0 : i32
    %dma_wait3A_807 = tpu.memref_slice %arg2[%add3A_797, %dma_wait3A_806] : memref<262144x128xf32, #tpu.memory_space<hbm>> -> memref<448x128xf32, #tpu.memory_space<hbm>>
    tpu.wait_dma2 semaphore(%arg8 : memref<!tpu.dma_semaphore, #tpu.memory_space<semaphore_mem>>) src(%dma_wait3A_807 : memref<448x128xf32, #tpu.memory_space<hbm>>) dst(%dma_wait3A_805 : memref<448x128xf32, #tpu.memory_space<vmem>>)
    %add3A_808 = arith.constant 448 : i32
    %add3A_809 = arith.addi %select_n3A_497, %add3A_808 : i32
    %dma_start3A_810 = arith.constant 0 : i32
    %dma_start3A_811 = arith.constant 0 : i32
    %dma_start3A_812 = tpu.memref_slice %arg5[%dma_start3A_810, %dma_start3A_811] : memref<448x128xf32, #tpu.memory_space<vmem>> -> memref<448x128xf32, #tpu.memory_space<vmem>>
    %dma_start3A_813 = arith.constant 0 : i32
    %dma_start3A_814 = tpu.memref_slice %arg2[%add3A_809, %dma_start3A_813] : memref<262144x128xf32, #tpu.memory_space<hbm>> -> memref<448x128xf32, #tpu.memory_space<hbm>>
    %dma_start3A_815 = arith.constant 0 : i32
    %dma_start3A_816 = arith.constant 0 : i32
    %dma_start3A_817 = tpu.memref_slice %arg5[%dma_start3A_815, %dma_start3A_816] : memref<448x128xf32, #tpu.memory_space<vmem>> -> memref<448x128xf32, #tpu.memory_space<vmem>>
    %dma_start3A_818 = arith.constant 0 : i32
    %dma_start3A_819 = tpu.memref_slice %arg2[%add3A_809, %dma_start3A_818] : memref<262144x128xf32, #tpu.memory_space<hbm>> -> memref<448x128xf32, #tpu.memory_space<hbm>>
    tpu.enqueue_dma source(%dma_start3A_819 : memref<448x128xf32, #tpu.memory_space<hbm>>) target(%dma_start3A_817 : memref<448x128xf32, #tpu.memory_space<vmem>>) target_semaphore(%arg7 : memref<!tpu.dma_semaphore, #tpu.memory_space<semaphore_mem>>)
    %mul3A_820 = arith.constant 4 : i32
    %mul3A_821 = arith.muli %add3A, %mul3A_820 : i32
    %add3A_822 = arith.constant 3 : i32
    %add3A_823 = arith.addi %mul3A_821, %add3A_822 : i32
    "tpu.region"() ({
      %run_scoped3A = tpu.sem_alloc : memref<!tpu.dma_semaphore, #tpu.memory_space<semaphore_mem>>
      %dma_start3A_880 = arith.constant 0 : i32
      %dma_start3A_881 = arith.constant 0 : i32
      %dma_start3A_882 = tpu.memref_slice %arg6[%dma_start3A_880, %dma_start3A_881] : memref<448x128xf32, #tpu.memory_space<vmem>> -> memref<448x128xf32, #tpu.memory_space<vmem>>
      %dma_start3A_883 = arith.constant 0 : i32
      %dma_start3A_884 = arith.constant 0 : i32
      %dma_start3A_885 = tpu.memref_slice %arg3[%dma_start3A_883, %add3A_823, %dma_start3A_884] : memref<1063x128x128xf32, #tpu.memory_space<hbm>> -> memref<448x1x128xf32, #tpu.memory_space<hbm>>
      %dma_start3A_886 = tpu.memref_squeeze %dma_start3A_885 : memref<448x1x128xf32, #tpu.memory_space<hbm>> -> memref<448x128xf32, #tpu.memory_space<hbm>>
      %dma_start3A_887 = arith.constant 0 : i32
      %dma_start3A_888 = arith.constant 0 : i32
      %dma_start3A_889 = tpu.memref_slice %arg3[%dma_start3A_887, %add3A_823, %dma_start3A_888] : memref<1063x128x128xf32, #tpu.memory_space<hbm>> -> memref<448x1x128xf32, #tpu.memory_space<hbm>>
      %dma_start3A_890 = tpu.memref_squeeze %dma_start3A_889 : memref<448x1x128xf32, #tpu.memory_space<hbm>> -> memref<448x128xf32, #tpu.memory_space<hbm>>
      %dma_start3A_891 = arith.constant 0 : i32
      %dma_start3A_892 = arith.constant 0 : i32
      %dma_start3A_893 = tpu.memref_slice %arg6[%dma_start3A_891, %dma_start3A_892] : memref<448x128xf32, #tpu.memory_space<vmem>> -> memref<448x128xf32, #tpu.memory_space<vmem>>
      tpu.enqueue_dma source(%dma_start3A_893 : memref<448x128xf32, #tpu.memory_space<vmem>>) target(%dma_start3A_890 : memref<448x128xf32, #tpu.memory_space<hbm>>) target_semaphore(%run_scoped3A : memref<!tpu.dma_semaphore, #tpu.memory_space<semaphore_mem>>)
      %dma_wait3A_894 = arith.constant 0 : i32
      %dma_wait3A_895 = arith.constant 0 : i32
      %dma_wait3A_896 = tpu.memref_slice %arg6[%dma_wait3A_894, %dma_wait3A_895] : memref<448x128xf32, #tpu.memory_space<vmem>> -> memref<448x128xf32, #tpu.memory_space<vmem>>
      %dma_wait3A_897 = arith.constant 0 : i32
      %dma_wait3A_898 = arith.constant 0 : i32
      %dma_wait3A_899 = tpu.memref_slice %arg3[%dma_wait3A_897, %add3A_823, %dma_wait3A_898] : memref<1063x128x128xf32, #tpu.memory_space<hbm>> -> memref<448x1x128xf32, #tpu.memory_space<hbm>>
      %dma_wait3A_900 = tpu.memref_squeeze %dma_wait3A_899 : memref<448x1x128xf32, #tpu.memory_space<hbm>> -> memref<448x128xf32, #tpu.memory_space<hbm>>
      %dma_wait3A_901 = arith.constant 0 : i32
      %dma_wait3A_902 = arith.constant 0 : i32
      %dma_wait3A_903 = tpu.memref_slice %arg3[%dma_wait3A_901, %add3A_823, %dma_wait3A_902] : memref<1063x128x128xf32, #tpu.memory_space<hbm>> -> memref<448x1x128xf32, #tpu.memory_space<hbm>>
      %dma_wait3A_904 = tpu.memref_squeeze %dma_wait3A_903 : memref<448x1x128xf32, #tpu.memory_space<hbm>> -> memref<448x128xf32, #tpu.memory_space<hbm>>
      %dma_wait3A_905 = arith.constant 0 : i32
      %dma_wait3A_906 = arith.constant 0 : i32
      %dma_wait3A_907 = tpu.memref_slice %arg6[%dma_wait3A_905, %dma_wait3A_906] : memref<448x128xf32, #tpu.memory_space<vmem>> -> memref<448x128xf32, #tpu.memory_space<vmem>>
      tpu.wait_dma2 semaphore(%run_scoped3A : memref<!tpu.dma_semaphore, #tpu.memory_space<semaphore_mem>>) src(%dma_wait3A_907 : memref<448x128xf32, #tpu.memory_space<vmem>>) dst(%dma_wait3A_904 : memref<448x128xf32, #tpu.memory_space<hbm>>)
      tpu.yield
    }) : () -> ()
    %mul3A_824 = arith.constant 4 : i32
    %mul3A_825 = arith.muli %add3A, %mul3A_824 : i32
    %add3A_826 = arith.constant 3 : i32
    %add3A_827 = arith.addi %mul3A_825, %add3A_826 : i32
    "tpu.region"() ({
      %run_scoped3A = tpu.sem_alloc : memref<!tpu.dma_semaphore, #tpu.memory_space<semaphore_mem>>
      %dma_start3A_880 = arith.constant 0 : i32
      %dma_start3A_881 = arith.constant 0 : i32
      %dma_start3A_882 = tpu.memref_slice %arg6[%dma_start3A_880, %dma_start3A_881] : memref<448x128xf32, #tpu.memory_space<vmem>> -> memref<448x128xf32, #tpu.memory_space<vmem>>
      %dma_start3A_883 = arith.constant 0 : i32
      %dma_start3A_884 = arith.constant 0 : i32
      %dma_start3A_885 = tpu.memref_slice %arg4[%dma_start3A_883, %add3A_827, %dma_start3A_884] : memref<1063x128x128xf32, #tpu.memory_space<hbm>> -> memref<448x1x128xf32, #tpu.memory_space<hbm>>
      %dma_start3A_886 = tpu.memref_squeeze %dma_start3A_885 : memref<448x1x128xf32, #tpu.memory_space<hbm>> -> memref<448x128xf32, #tpu.memory_space<hbm>>
      %dma_start3A_887 = arith.constant 0 : i32
      %dma_start3A_888 = arith.constant 0 : i32
      %dma_start3A_889 = tpu.memref_slice %arg4[%dma_start3A_887, %add3A_827, %dma_start3A_888] : memref<1063x128x128xf32, #tpu.memory_space<hbm>> -> memref<448x1x128xf32, #tpu.memory_space<hbm>>
      %dma_start3A_890 = tpu.memref_squeeze %dma_start3A_889 : memref<448x1x128xf32, #tpu.memory_space<hbm>> -> memref<448x128xf32, #tpu.memory_space<hbm>>
      %dma_start3A_891 = arith.constant 0 : i32
      %dma_start3A_892 = arith.constant 0 : i32
      %dma_start3A_893 = tpu.memref_slice %arg6[%dma_start3A_891, %dma_start3A_892] : memref<448x128xf32, #tpu.memory_space<vmem>> -> memref<448x128xf32, #tpu.memory_space<vmem>>
      tpu.enqueue_dma source(%dma_start3A_893 : memref<448x128xf32, #tpu.memory_space<vmem>>) target(%dma_start3A_890 : memref<448x128xf32, #tpu.memory_space<hbm>>) target_semaphore(%run_scoped3A : memref<!tpu.dma_semaphore, #tpu.memory_space<semaphore_mem>>)
      %dma_wait3A_894 = arith.constant 0 : i32
      %dma_wait3A_895 = arith.constant 0 : i32
      %dma_wait3A_896 = tpu.memref_slice %arg6[%dma_wait3A_894, %dma_wait3A_895] : memref<448x128xf32, #tpu.memory_space<vmem>> -> memref<448x128xf32, #tpu.memory_space<vmem>>
      %dma_wait3A_897 = arith.constant 0 : i32
      %dma_wait3A_898 = arith.constant 0 : i32
      %dma_wait3A_899 = tpu.memref_slice %arg4[%dma_wait3A_897, %add3A_827, %dma_wait3A_898] : memref<1063x128x128xf32, #tpu.memory_space<hbm>> -> memref<448x1x128xf32, #tpu.memory_space<hbm>>
      %dma_wait3A_900 = tpu.memref_squeeze %dma_wait3A_899 : memref<448x1x128xf32, #tpu.memory_space<hbm>> -> memref<448x128xf32, #tpu.memory_space<hbm>>
      %dma_wait3A_901 = arith.constant 0 : i32
      %dma_wait3A_902 = arith.constant 0 : i32
      %dma_wait3A_903 = tpu.memref_slice %arg4[%dma_wait3A_901, %add3A_827, %dma_wait3A_902] : memref<1063x128x128xf32, #tpu.memory_space<hbm>> -> memref<448x1x128xf32, #tpu.memory_space<hbm>>
      %dma_wait3A_904 = tpu.memref_squeeze %dma_wait3A_903 : memref<448x1x128xf32, #tpu.memory_space<hbm>> -> memref<448x128xf32, #tpu.memory_space<hbm>>
      %dma_wait3A_905 = arith.constant 0 : i32
      %dma_wait3A_906 = arith.constant 0 : i32
      %dma_wait3A_907 = tpu.memref_slice %arg6[%dma_wait3A_905, %dma_wait3A_906] : memref<448x128xf32, #tpu.memory_space<vmem>> -> memref<448x128xf32, #tpu.memory_space<vmem>>
      tpu.wait_dma2 semaphore(%run_scoped3A : memref<!tpu.dma_semaphore, #tpu.memory_space<semaphore_mem>>) src(%dma_wait3A_907 : memref<448x128xf32, #tpu.memory_space<vmem>>) dst(%dma_wait3A_904 : memref<448x128xf32, #tpu.memory_space<hbm>>)
      tpu.yield
    }) : () -> ()
    %add3A_828 = arith.constant 448 : i32
    %add3A_829 = arith.addi %select_n3A_497, %add3A_828 : i32
    %dma_wait3A_830 = arith.constant 0 : i32
    %dma_wait3A_831 = arith.constant 0 : i32
    %dma_wait3A_832 = tpu.memref_slice %arg5[%dma_wait3A_830, %dma_wait3A_831] : memref<448x128xf32, #tpu.memory_space<vmem>> -> memref<448x128xf32, #tpu.memory_space<vmem>>
    %dma_wait3A_833 = arith.constant 0 : i32
    %dma_wait3A_834 = tpu.memref_slice %arg2[%add3A_829, %dma_wait3A_833] : memref<262144x128xf32, #tpu.memory_space<hbm>> -> memref<448x128xf32, #tpu.memory_space<hbm>>
    %dma_wait3A_835 = arith.constant 0 : i32
    %dma_wait3A_836 = arith.constant 0 : i32
    %dma_wait3A_837 = tpu.memref_slice %arg5[%dma_wait3A_835, %dma_wait3A_836] : memref<448x128xf32, #tpu.memory_space<vmem>> -> memref<448x128xf32, #tpu.memory_space<vmem>>
    %dma_wait3A_838 = arith.constant 0 : i32
    %dma_wait3A_839 = tpu.memref_slice %arg2[%add3A_829, %dma_wait3A_838] : memref<262144x128xf32, #tpu.memory_space<hbm>> -> memref<448x128xf32, #tpu.memory_space<hbm>>
    tpu.wait_dma2 semaphore(%arg7 : memref<!tpu.dma_semaphore, #tpu.memory_space<semaphore_mem>>) src(%dma_wait3A_839 : memref<448x128xf32, #tpu.memory_space<hbm>>) dst(%dma_wait3A_837 : memref<448x128xf32, #tpu.memory_space<vmem>>)
    %add3A_840 = arith.constant 895 : i32
    %add3A_841 = arith.addi %select_n3A_497, %add3A_840 : i32
    %dma_start3A_842 = arith.constant 0 : i32
    %dma_start3A_843 = arith.constant 0 : i32
    %dma_start3A_844 = tpu.memref_slice %arg6[%dma_start3A_842, %dma_start3A_843] : memref<448x128xf32, #tpu.memory_space<vmem>> -> memref<168x128xf32, #tpu.memory_space<vmem>>
    %dma_start3A_845 = arith.constant 0 : i32
    %dma_start3A_846 = tpu.memref_slice %arg2[%add3A_841, %dma_start3A_845] : memref<262144x128xf32, #tpu.memory_space<hbm>> -> memref<168x128xf32, #tpu.memory_space<hbm>>
    %dma_start3A_847 = arith.constant 0 : i32
    %dma_start3A_848 = arith.constant 0 : i32
    %dma_start3A_849 = tpu.memref_slice %arg6[%dma_start3A_847, %dma_start3A_848] : memref<448x128xf32, #tpu.memory_space<vmem>> -> memref<168x128xf32, #tpu.memory_space<vmem>>
    %dma_start3A_850 = arith.constant 0 : i32
    %dma_start3A_851 = tpu.memref_slice %arg2[%add3A_841, %dma_start3A_850] : memref<262144x128xf32, #tpu.memory_space<hbm>> -> memref<168x128xf32, #tpu.memory_space<hbm>>
    tpu.enqueue_dma source(%dma_start3A_851 : memref<168x128xf32, #tpu.memory_space<hbm>>) target(%dma_start3A_849 : memref<168x128xf32, #tpu.memory_space<vmem>>) target_semaphore(%arg8 : memref<!tpu.dma_semaphore, #tpu.memory_space<semaphore_mem>>)
    %mul3A_852 = arith.constant 4 : i32
    %mul3A_853 = arith.muli %add3A, %mul3A_852 : i32
    %add3A_854 = arith.constant 3 : i32
    %add3A_855 = arith.addi %mul3A_853, %add3A_854 : i32
    "tpu.region"() ({
      %run_scoped3A = tpu.sem_alloc : memref<!tpu.dma_semaphore, #tpu.memory_space<semaphore_mem>>
      %dma_start3A_880 = arith.constant 0 : i32
      %dma_start3A_881 = arith.constant 0 : i32
      %dma_start3A_882 = tpu.memref_slice %arg5[%dma_start3A_880, %dma_start3A_881] : memref<448x128xf32, #tpu.memory_space<vmem>> -> memref<448x128xf32, #tpu.memory_space<vmem>>
      %dma_start3A_883 = arith.constant 448 : i32
      %dma_start3A_884 = arith.constant 0 : i32
      %dma_start3A_885 = tpu.memref_slice %arg3[%dma_start3A_883, %add3A_855, %dma_start3A_884] : memref<1063x128x128xf32, #tpu.memory_space<hbm>> -> memref<448x1x128xf32, #tpu.memory_space<hbm>>
      %dma_start3A_886 = tpu.memref_squeeze %dma_start3A_885 : memref<448x1x128xf32, #tpu.memory_space<hbm>> -> memref<448x128xf32, #tpu.memory_space<hbm>>
      %dma_start3A_887 = arith.constant 448 : i32
      %dma_start3A_888 = arith.constant 0 : i32
      %dma_start3A_889 = tpu.memref_slice %arg3[%dma_start3A_887, %add3A_855, %dma_start3A_888] : memref<1063x128x128xf32, #tpu.memory_space<hbm>> -> memref<448x1x128xf32, #tpu.memory_space<hbm>>
      %dma_start3A_890 = tpu.memref_squeeze %dma_start3A_889 : memref<448x1x128xf32, #tpu.memory_space<hbm>> -> memref<448x128xf32, #tpu.memory_space<hbm>>
      %dma_start3A_891 = arith.constant 0 : i32
      %dma_start3A_892 = arith.constant 0 : i32
      %dma_start3A_893 = tpu.memref_slice %arg5[%dma_start3A_891, %dma_start3A_892] : memref<448x128xf32, #tpu.memory_space<vmem>> -> memref<448x128xf32, #tpu.memory_space<vmem>>
      tpu.enqueue_dma source(%dma_start3A_893 : memref<448x128xf32, #tpu.memory_space<vmem>>) target(%dma_start3A_890 : memref<448x128xf32, #tpu.memory_space<hbm>>) target_semaphore(%run_scoped3A : memref<!tpu.dma_semaphore, #tpu.memory_space<semaphore_mem>>)
      %dma_wait3A_894 = arith.constant 0 : i32
      %dma_wait3A_895 = arith.constant 0 : i32
      %dma_wait3A_896 = tpu.memref_slice %arg5[%dma_wait3A_894, %dma_wait3A_895] : memref<448x128xf32, #tpu.memory_space<vmem>> -> memref<448x128xf32, #tpu.memory_space<vmem>>
      %dma_wait3A_897 = arith.constant 448 : i32
      %dma_wait3A_898 = arith.constant 0 : i32
      %dma_wait3A_899 = tpu.memref_slice %arg3[%dma_wait3A_897, %add3A_855, %dma_wait3A_898] : memref<1063x128x128xf32, #tpu.memory_space<hbm>> -> memref<448x1x128xf32, #tpu.memory_space<hbm>>
      %dma_wait3A_900 = tpu.memref_squeeze %dma_wait3A_899 : memref<448x1x128xf32, #tpu.memory_space<hbm>> -> memref<448x128xf32, #tpu.memory_space<hbm>>
      %dma_wait3A_901 = arith.constant 448 : i32
      %dma_wait3A_902 = arith.constant 0 : i32
      %dma_wait3A_903 = tpu.memref_slice %arg3[%dma_wait3A_901, %add3A_855, %dma_wait3A_902] : memref<1063x128x128xf32, #tpu.memory_space<hbm>> -> memref<448x1x128xf32, #tpu.memory_space<hbm>>
      %dma_wait3A_904 = tpu.memref_squeeze %dma_wait3A_903 : memref<448x1x128xf32, #tpu.memory_space<hbm>> -> memref<448x128xf32, #tpu.memory_space<hbm>>
      %dma_wait3A_905 = arith.constant 0 : i32
      %dma_wait3A_906 = arith.constant 0 : i32
      %dma_wait3A_907 = tpu.memref_slice %arg5[%dma_wait3A_905, %dma_wait3A_906] : memref<448x128xf32, #tpu.memory_space<vmem>> -> memref<448x128xf32, #tpu.memory_space<vmem>>
      tpu.wait_dma2 semaphore(%run_scoped3A : memref<!tpu.dma_semaphore, #tpu.memory_space<semaphore_mem>>) src(%dma_wait3A_907 : memref<448x128xf32, #tpu.memory_space<vmem>>) dst(%dma_wait3A_904 : memref<448x128xf32, #tpu.memory_space<hbm>>)
      tpu.yield
    }) : () -> ()
    %mul3A_856 = arith.constant 4 : i32
    %mul3A_857 = arith.muli %add3A, %mul3A_856 : i32
    %add3A_858 = arith.constant 3 : i32
    %add3A_859 = arith.addi %mul3A_857, %add3A_858 : i32
    "tpu.region"() ({
      %run_scoped3A = tpu.sem_alloc : memref<!tpu.dma_semaphore, #tpu.memory_space<semaphore_mem>>
      %dma_start3A_880 = arith.constant 0 : i32
      %dma_start3A_881 = arith.constant 0 : i32
      %dma_start3A_882 = tpu.memref_slice %arg5[%dma_start3A_880, %dma_start3A_881] : memref<448x128xf32, #tpu.memory_space<vmem>> -> memref<448x128xf32, #tpu.memory_space<vmem>>
      %dma_start3A_883 = arith.constant 448 : i32
      %dma_start3A_884 = arith.constant 0 : i32
      %dma_start3A_885 = tpu.memref_slice %arg4[%dma_start3A_883, %add3A_859, %dma_start3A_884] : memref<1063x128x128xf32, #tpu.memory_space<hbm>> -> memref<448x1x128xf32, #tpu.memory_space<hbm>>
      %dma_start3A_886 = tpu.memref_squeeze %dma_start3A_885 : memref<448x1x128xf32, #tpu.memory_space<hbm>> -> memref<448x128xf32, #tpu.memory_space<hbm>>
      %dma_start3A_887 = arith.constant 448 : i32
      %dma_start3A_888 = arith.constant 0 : i32
      %dma_start3A_889 = tpu.memref_slice %arg4[%dma_start3A_887, %add3A_859, %dma_start3A_888] : memref<1063x128x128xf32, #tpu.memory_space<hbm>> -> memref<448x1x128xf32, #tpu.memory_space<hbm>>
      %dma_start3A_890 = tpu.memref_squeeze %dma_start3A_889 : memref<448x1x128xf32, #tpu.memory_space<hbm>> -> memref<448x128xf32, #tpu.memory_space<hbm>>
      %dma_start3A_891 = arith.constant 0 : i32
      %dma_start3A_892 = arith.constant 0 : i32
      %dma_start3A_893 = tpu.memref_slice %arg5[%dma_start3A_891, %dma_start3A_892] : memref<448x128xf32, #tpu.memory_space<vmem>> -> memref<448x128xf32, #tpu.memory_space<vmem>>
      tpu.enqueue_dma source(%dma_start3A_893 : memref<448x128xf32, #tpu.memory_space<vmem>>) target(%dma_start3A_890 : memref<448x128xf32, #tpu.memory_space<hbm>>) target_semaphore(%run_scoped3A : memref<!tpu.dma_semaphore, #tpu.memory_space<semaphore_mem>>)
      %dma_wait3A_894 = arith.constant 0 : i32
      %dma_wait3A_895 = arith.constant 0 : i32
      %dma_wait3A_896 = tpu.memref_slice %arg5[%dma_wait3A_894, %dma_wait3A_895] : memref<448x128xf32, #tpu.memory_space<vmem>> -> memref<448x128xf32, #tpu.memory_space<vmem>>
      %dma_wait3A_897 = arith.constant 448 : i32
      %dma_wait3A_898 = arith.constant 0 : i32
      %dma_wait3A_899 = tpu.memref_slice %arg4[%dma_wait3A_897, %add3A_859, %dma_wait3A_898] : memref<1063x128x128xf32, #tpu.memory_space<hbm>> -> memref<448x1x128xf32, #tpu.memory_space<hbm>>
      %dma_wait3A_900 = tpu.memref_squeeze %dma_wait3A_899 : memref<448x1x128xf32, #tpu.memory_space<hbm>> -> memref<448x128xf32, #tpu.memory_space<hbm>>
      %dma_wait3A_901 = arith.constant 448 : i32
      %dma_wait3A_902 = arith.constant 0 : i32
      %dma_wait3A_903 = tpu.memref_slice %arg4[%dma_wait3A_901, %add3A_859, %dma_wait3A_902] : memref<1063x128x128xf32, #tpu.memory_space<hbm>> -> memref<448x1x128xf32, #tpu.memory_space<hbm>>
      %dma_wait3A_904 = tpu.memref_squeeze %dma_wait3A_903 : memref<448x1x128xf32, #tpu.memory_space<hbm>> -> memref<448x128xf32, #tpu.memory_space<hbm>>
      %dma_wait3A_905 = arith.constant 0 : i32
      %dma_wait3A_906 = arith.constant 0 : i32
      %dma_wait3A_907 = tpu.memref_slice %arg5[%dma_wait3A_905, %dma_wait3A_906] : memref<448x128xf32, #tpu.memory_space<vmem>> -> memref<448x128xf32, #tpu.memory_space<vmem>>
      tpu.wait_dma2 semaphore(%run_scoped3A : memref<!tpu.dma_semaphore, #tpu.memory_space<semaphore_mem>>) src(%dma_wait3A_907 : memref<448x128xf32, #tpu.memory_space<vmem>>) dst(%dma_wait3A_904 : memref<448x128xf32, #tpu.memory_space<hbm>>)
      tpu.yield
    }) : () -> ()
    %add3A_860 = arith.constant 895 : i32
    %add3A_861 = arith.addi %select_n3A_497, %add3A_860 : i32
    %dma_wait3A_862 = arith.constant 0 : i32
    %dma_wait3A_863 = arith.constant 0 : i32
    %dma_wait3A_864 = tpu.memref_slice %arg6[%dma_wait3A_862, %dma_wait3A_863] : memref<448x128xf32, #tpu.memory_space<vmem>> -> memref<168x128xf32, #tpu.memory_space<vmem>>
    %dma_wait3A_865 = arith.constant 0 : i32
    %dma_wait3A_866 = tpu.memref_slice %arg2[%add3A_861, %dma_wait3A_865] : memref<262144x128xf32, #tpu.memory_space<hbm>> -> memref<168x128xf32, #tpu.memory_space<hbm>>
    %dma_wait3A_867 = arith.constant 0 : i32
    %dma_wait3A_868 = arith.constant 0 : i32
    %dma_wait3A_869 = tpu.memref_slice %arg6[%dma_wait3A_867, %dma_wait3A_868] : memref<448x128xf32, #tpu.memory_space<vmem>> -> memref<168x128xf32, #tpu.memory_space<vmem>>
    %dma_wait3A_870 = arith.constant 0 : i32
    %dma_wait3A_871 = tpu.memref_slice %arg2[%add3A_861, %dma_wait3A_870] : memref<262144x128xf32, #tpu.memory_space<hbm>> -> memref<168x128xf32, #tpu.memory_space<hbm>>
    tpu.wait_dma2 semaphore(%arg8 : memref<!tpu.dma_semaphore, #tpu.memory_space<semaphore_mem>>) src(%dma_wait3A_871 : memref<168x128xf32, #tpu.memory_space<hbm>>) dst(%dma_wait3A_869 : memref<168x128xf32, #tpu.memory_space<vmem>>)
    %mul3A_872 = arith.constant 4 : i32
    %mul3A_873 = arith.muli %add3A, %mul3A_872 : i32
    %add3A_874 = arith.constant 3 : i32
    %add3A_875 = arith.addi %mul3A_873, %add3A_874 : i32
    "tpu.region"() ({
      %run_scoped3A = tpu.sem_alloc : memref<!tpu.dma_semaphore, #tpu.memory_space<semaphore_mem>>
      %dma_start3A_880 = arith.constant 0 : i32
      %dma_start3A_881 = arith.constant 0 : i32
      %dma_start3A_882 = tpu.memref_slice %arg6[%dma_start3A_880, %dma_start3A_881] : memref<448x128xf32, #tpu.memory_space<vmem>> -> memref<168x128xf32, #tpu.memory_space<vmem>>
      %dma_start3A_883 = arith.constant 895 : i32
      %dma_start3A_884 = arith.constant 0 : i32
      %dma_start3A_885 = tpu.memref_slice %arg3[%dma_start3A_883, %add3A_875, %dma_start3A_884] : memref<1063x128x128xf32, #tpu.memory_space<hbm>> -> memref<168x1x128xf32, #tpu.memory_space<hbm>>
      %dma_start3A_886 = tpu.memref_squeeze %dma_start3A_885 : memref<168x1x128xf32, #tpu.memory_space<hbm>> -> memref<168x128xf32, #tpu.memory_space<hbm>>
      %dma_start3A_887 = arith.constant 895 : i32
      %dma_start3A_888 = arith.constant 0 : i32
      %dma_start3A_889 = tpu.memref_slice %arg3[%dma_start3A_887, %add3A_875, %dma_start3A_888] : memref<1063x128x128xf32, #tpu.memory_space<hbm>> -> memref<168x1x128xf32, #tpu.memory_space<hbm>>
      %dma_start3A_890 = tpu.memref_squeeze %dma_start3A_889 : memref<168x1x128xf32, #tpu.memory_space<hbm>> -> memref<168x128xf32, #tpu.memory_space<hbm>>
      %dma_start3A_891 = arith.constant 0 : i32
      %dma_start3A_892 = arith.constant 0 : i32
      %dma_start3A_893 = tpu.memref_slice %arg6[%dma_start3A_891, %dma_start3A_892] : memref<448x128xf32, #tpu.memory_space<vmem>> -> memref<168x128xf32, #tpu.memory_space<vmem>>
      tpu.enqueue_dma source(%dma_start3A_893 : memref<168x128xf32, #tpu.memory_space<vmem>>) target(%dma_start3A_890 : memref<168x128xf32, #tpu.memory_space<hbm>>) target_semaphore(%run_scoped3A : memref<!tpu.dma_semaphore, #tpu.memory_space<semaphore_mem>>)
      %dma_wait3A_894 = arith.constant 0 : i32
      %dma_wait3A_895 = arith.constant 0 : i32
      %dma_wait3A_896 = tpu.memref_slice %arg6[%dma_wait3A_894, %dma_wait3A_895] : memref<448x128xf32, #tpu.memory_space<vmem>> -> memref<168x128xf32, #tpu.memory_space<vmem>>
      %dma_wait3A_897 = arith.constant 895 : i32
      %dma_wait3A_898 = arith.constant 0 : i32
      %dma_wait3A_899 = tpu.memref_slice %arg3[%dma_wait3A_897, %add3A_875, %dma_wait3A_898] : memref<1063x128x128xf32, #tpu.memory_space<hbm>> -> memref<168x1x128xf32, #tpu.memory_space<hbm>>
      %dma_wait3A_900 = tpu.memref_squeeze %dma_wait3A_899 : memref<168x1x128xf32, #tpu.memory_space<hbm>> -> memref<168x128xf32, #tpu.memory_space<hbm>>
      %dma_wait3A_901 = arith.constant 895 : i32
      %dma_wait3A_902 = arith.constant 0 : i32
      %dma_wait3A_903 = tpu.memref_slice %arg3[%dma_wait3A_901, %add3A_875, %dma_wait3A_902] : memref<1063x128x128xf32, #tpu.memory_space<hbm>> -> memref<168x1x128xf32, #tpu.memory_space<hbm>>
      %dma_wait3A_904 = tpu.memref_squeeze %dma_wait3A_903 : memref<168x1x128xf32, #tpu.memory_space<hbm>> -> memref<168x128xf32, #tpu.memory_space<hbm>>
      %dma_wait3A_905 = arith.constant 0 : i32
      %dma_wait3A_906 = arith.constant 0 : i32
      %dma_wait3A_907 = tpu.memref_slice %arg6[%dma_wait3A_905, %dma_wait3A_906] : memref<448x128xf32, #tpu.memory_space<vmem>> -> memref<168x128xf32, #tpu.memory_space<vmem>>
      tpu.wait_dma2 semaphore(%run_scoped3A : memref<!tpu.dma_semaphore, #tpu.memory_space<semaphore_mem>>) src(%dma_wait3A_907 : memref<168x128xf32, #tpu.memory_space<vmem>>) dst(%dma_wait3A_904 : memref<168x128xf32, #tpu.memory_space<hbm>>)
      tpu.yield
    }) : () -> ()
    %mul3A_876 = arith.constant 4 : i32
    %mul3A_877 = arith.muli %add3A, %mul3A_876 : i32
    %add3A_878 = arith.constant 3 : i32
    %add3A_879 = arith.addi %mul3A_877, %add3A_878 : i32
    "tpu.region"() ({
      %run_scoped3A = tpu.sem_alloc : memref<!tpu.dma_semaphore, #tpu.memory_space<semaphore_mem>>
      %dma_start3A_880 = arith.constant 0 : i32
      %dma_start3A_881 = arith.constant 0 : i32
      %dma_start3A_882 = tpu.memref_slice %arg6[%dma_start3A_880, %dma_start3A_881] : memref<448x128xf32, #tpu.memory_space<vmem>> -> memref<168x128xf32, #tpu.memory_space<vmem>>
      %dma_start3A_883 = arith.constant 895 : i32
      %dma_start3A_884 = arith.constant 0 : i32
      %dma_start3A_885 = tpu.memref_slice %arg4[%dma_start3A_883, %add3A_879, %dma_start3A_884] : memref<1063x128x128xf32, #tpu.memory_space<hbm>> -> memref<168x1x128xf32, #tpu.memory_space<hbm>>
      %dma_start3A_886 = tpu.memref_squeeze %dma_start3A_885 : memref<168x1x128xf32, #tpu.memory_space<hbm>> -> memref<168x128xf32, #tpu.memory_space<hbm>>
      %dma_start3A_887 = arith.constant 895 : i32
      %dma_start3A_888 = arith.constant 0 : i32
      %dma_start3A_889 = tpu.memref_slice %arg4[%dma_start3A_887, %add3A_879, %dma_start3A_888] : memref<1063x128x128xf32, #tpu.memory_space<hbm>> -> memref<168x1x128xf32, #tpu.memory_space<hbm>>
      %dma_start3A_890 = tpu.memref_squeeze %dma_start3A_889 : memref<168x1x128xf32, #tpu.memory_space<hbm>> -> memref<168x128xf32, #tpu.memory_space<hbm>>
      %dma_start3A_891 = arith.constant 0 : i32
      %dma_start3A_892 = arith.constant 0 : i32
      %dma_start3A_893 = tpu.memref_slice %arg6[%dma_start3A_891, %dma_start3A_892] : memref<448x128xf32, #tpu.memory_space<vmem>> -> memref<168x128xf32, #tpu.memory_space<vmem>>
      tpu.enqueue_dma source(%dma_start3A_893 : memref<168x128xf32, #tpu.memory_space<vmem>>) target(%dma_start3A_890 : memref<168x128xf32, #tpu.memory_space<hbm>>) target_semaphore(%run_scoped3A : memref<!tpu.dma_semaphore, #tpu.memory_space<semaphore_mem>>)
      %dma_wait3A_894 = arith.constant 0 : i32
      %dma_wait3A_895 = arith.constant 0 : i32
      %dma_wait3A_896 = tpu.memref_slice %arg6[%dma_wait3A_894, %dma_wait3A_895] : memref<448x128xf32, #tpu.memory_space<vmem>> -> memref<168x128xf32, #tpu.memory_space<vmem>>
      %dma_wait3A_897 = arith.constant 895 : i32
      %dma_wait3A_898 = arith.constant 0 : i32
      %dma_wait3A_899 = tpu.memref_slice %arg4[%dma_wait3A_897, %add3A_879, %dma_wait3A_898] : memref<1063x128x128xf32, #tpu.memory_space<hbm>> -> memref<168x1x128xf32, #tpu.memory_space<hbm>>
      %dma_wait3A_900 = tpu.memref_squeeze %dma_wait3A_899 : memref<168x1x128xf32, #tpu.memory_space<hbm>> -> memref<168x128xf32, #tpu.memory_space<hbm>>
      %dma_wait3A_901 = arith.constant 895 : i32
      %dma_wait3A_902 = arith.constant 0 : i32
      %dma_wait3A_903 = tpu.memref_slice %arg4[%dma_wait3A_901, %add3A_879, %dma_wait3A_902] : memref<1063x128x128xf32, #tpu.memory_space<hbm>> -> memref<168x1x128xf32, #tpu.memory_space<hbm>>
      %dma_wait3A_904 = tpu.memref_squeeze %dma_wait3A_903 : memref<168x1x128xf32, #tpu.memory_space<hbm>> -> memref<168x128xf32, #tpu.memory_space<hbm>>
      %dma_wait3A_905 = arith.constant 0 : i32
      %dma_wait3A_906 = arith.constant 0 : i32
      %dma_wait3A_907 = tpu.memref_slice %arg6[%dma_wait3A_905, %dma_wait3A_906] : memref<448x128xf32, #tpu.memory_space<vmem>> -> memref<168x128xf32, #tpu.memory_space<vmem>>
      tpu.wait_dma2 semaphore(%run_scoped3A : memref<!tpu.dma_semaphore, #tpu.memory_space<semaphore_mem>>) src(%dma_wait3A_907 : memref<168x128xf32, #tpu.memory_space<vmem>>) dst(%dma_wait3A_904 : memref<168x128xf32, #tpu.memory_space<hbm>>)
      tpu.yield
    }) : () -> ()
    return
  }
}

</mosaic_0001>

<sc_bundles>
// kernel: kernel.3.cloned.1.call-start
scs
__scs_entry_jumppad:
0x0: {  	(pc) =	sbr.rel $0x88, $3  }
0x1: {  	(tag) =	ssettag $0x0;
	lr =	simm.s32 $0x1  }
0x2: {  	[smem:$0x3FA0] =	sst lr;
	_ =	strace $0xD0000000  }
0x3: {  	_ = 	snop  }
0x4: {  	_ = 	snop  }
0x5: {  	_ = 	snop  }
0x6: {  	_ = 	snop  }
0x7: {  	_ = 	snop  }
__scs_overlays_trampoline_lowered:
0x8: {  	[smem:$0x3FAF] =	sst s0  }
0x9: {  	[smem:$0x3FB0] =	sst s1  }
0xa: {  	[smem:$0x3FB1] =	sst s2  }
0xb: {  	[smem:$0x3FB2] =	sst s3  }
0xc: {  	[smem:$0x3FB3] =	sst s4  }
0xd: {  	[smem:$0x3FB4] =	sst s5  }
0xe: {  	[smem:$0x3FB5] =	sst s6  }
0xf: {  	[smem:$0x3FB6] =	sst s7  }
0x10: {  	[smem:$0x3FB7] =	sst s8  }
0x11: {  	[smem:$0x3FB8] =	sst s9;
	s0 =	simm.s32 @!p0 $0x0  }
0x12: {  	s1 =	sld [smem:$0x3F9E];
	s0 =	simm.s32 @p0 $0x1  }
0x13: {  	[smem:$0x3FB9] =	sst s0;
	s0 =	simm.s32 @!p1 $0x0  }
0x14: {  	s2 =	sld [smem:$0x3F9D];
	s0 =	simm.s32 @p1 $0x1  }
0x15: {  	[smem:$0x3FBA] =	sst s0;
	s0 =	simm.s32 @!p2 $0x0  }
0x16: {  	s3 =	sld [smem:$0x3FDB];
	s0 =	simm.s32 @p2 $0x1  }
0x17: {  	s4 =	simm.s32 $0x1BF5;
	[smem:$0x3FBC] =	sst s0  }
0x18: {  	s0 =	sld [smem:$0x3F9F];
	_ =	swait.ge [sflag:s4], $0x0  }
0x19: {  	s7 =	sld [smem:$0x3FA0]  }
0x1a: {  	s8 =	sadd.s32 $0xFFFFE003, lr  }
0x1b: {  	s9 =	sadd.s32 $0xFFFFFEF7, lr;
	s5 =	simm.s32 $0xFFFFFFFF;
	p2 =	slt.u32 s8, $0xFFFFF086  }
0x1c: {  	p1 =	slt.u32 s9, $0xF7A;
	s5 =	simm.s32 @!p2 $0x0  }
0x1d: {  	s5 =	simm.s32 @p1 $0x1;
	p0 =	seq.s32 s7, s2  }
0x1e: {  	s7 =	smul.u32 @!p0 $0xF7A, s2;
	p2 =	seq.s32 @!p0 s5, $0x0  }
0x1f: {  	s9 =	smul.u32 $0xF7A, s1;
	s8 =	simm.s32 @!p0 $0x1BF5;
	p2 =	por !p2, p0  }
0x20: {  	[sflag:s8] =	ssyncset.s32 @!p0 $0xFFFFF086;
	s6 =	sadd.s32 @!p0 s3, s7;
	s7 =	simm.s32 @!p0 $0x108  }
0x21: {  	s3 =	sadd.s32 s3, s9;
	s6 =	sadd.s32 @!p0 $0x88, s6;
	s7 =	simm.s32 @p2 $0x1082  }
0x22: {  	[simem:s7], [sflag:s8] =	dma.local @!p0 [hbm:s6], $0xF7A  }
0x23: {  	s9 =	sor.u32 $0xD0000000, s2;
	s6 =	simm.s32 $0x108;
	_ =	swait.ge @!p0 [sflag:s8], $0x0  }
0x24: {  	s3 =	sadd.s32 $0x88, s3;
	s6 =	simm.s32 @!p1 $0x1082;
	[sflag:s4] =	ssyncset.s32 $0xFFFFF086  }
0x25: {  	[simem:s6], [sflag:s4] =	dma.local [hbm:s3], $0xF7A  }
0x26: {  	[smem:$0x3FA0] =	sst s1;
	(tag) =	ssettag s2;
	_ =	strace s9  }
0x27: {  	s1 =	sld [smem:$0x3FB0]  }
0x28: {  	s2 =	sld [smem:$0x3FB1]  }
0x29: {  	s4 =	sld [smem:$0x3FB3]  }
0x2a: {  	p0 =	seq.s32 s5, $0x0;
	s5 =	sld [smem:$0x3FB4]  }
0x2b: {  	s6 =	sld [smem:$0x3FB5]  }
0x2c: {  	s7 =	sld [smem:$0x3FB6]  }
0x2d: {  	s3 =	simm.s32 $0x108;
	s8 =	sld [smem:$0x3FB7]  }
0x2e: {  	s3 =	simm.s32 @!p0 $0x1082;
	s9 =	sld [smem:$0x3FB8]  }
0x2f: {  	lr =	sadd.s32 s0, s3;
	s0 =	sld [smem:$0x3FAF]  }
0x30: {  	s3 =	sld [smem:$0x3FB2]  }
0x31: {  	[smem:$0x3FBB] =	sst s10  }
0x32: {  	s10 =	sld [smem:$0x3FB9];
	_ =	sdelay $0x3  }
0x33: {  	p0 =	seq.s32 s10, $0x1;
	s10 =	sld [smem:$0x3FBB];
	_ =	sdelay $0x3  }
0x34: {  	[smem:$0x3FBB] =	sst s10  }
0x35: {  	s10 =	sld [smem:$0x3FBA];
	_ =	sdelay $0x3  }
0x36: {  	p1 =	seq.s32 s10, $0x1;
	s10 =	sld [smem:$0x3FBB];
	_ =	sdelay $0x3  }
0x37: {  	[smem:$0x3FBB] =	sst s10  }
0x38: {  	s10 =	sld [smem:$0x3FBC]  }
0x39: {  	_ = 	snop;
	(pc) =	sbr.ind lr, $3  }
0x3a: {  	_ = 	snop  }
0x3b: {  	_ = 	snop  }
0x3c: {  	p2 =	seq.s32 s10, $0x1;
	s10 =	sld [smem:$0x3FBB]  }
0x3d: {  	_ =	shalt  }
0x3e: {  	_ =	shalt  }
0x3f: {  	_ =	shalt  }
0x40: {  	_ =	shalt  }
0x41: {  	_ =	shalt  }
0x42: {  	_ =	shalt  }
0x43: {  	_ =	shalt  }
0x44: {  	_ =	shalt  }
0x45: {  	_ =	shalt  }
0x46: {  	_ =	shalt  }
0x47: {  	_ =	shalt  }
0x48: {  	_ =	shalt  }
0x49: {  	_ =	shalt  }
0x4a: {  	_ =	shalt  }
0x4b: {  	_ =	shalt  }
0x4c: {  	_ =	shalt  }
0x4d: {  	_ =	shalt  }
0x4e: {  	_ =	shalt  }
0x4f: {  	_ =	shalt  }
0x50: {  	_ =	shalt  }
0x51: {  	_ =	shalt  }
0x52: {  	_ =	shalt  }
0x53: {  	_ =	shalt  }
0x54: {  	_ =	shalt  }
0x55: {  	_ =	shalt  }
0x56: {  	_ =	shalt  }
0x57: {  	_ =	shalt  }
0x58: {  	_ =	shalt  }
0x59: {  	_ =	shalt  }
0x5a: {  	_ =	shalt  }
0x5b: {  	_ =	shalt  }
0x5c: {  	_ =	shalt  }
0x5d: {  	_ =	shalt  }
0x5e: {  	_ =	shalt  }
0x5f: {  	_ =	shalt  }
0x60: {  	_ =	shalt  }
0x61: {  	_ =	shalt  }
0x62: {  	_ =	shalt  }
0x63: {  	_ =	shalt  }
0x64: {  	_ =	shalt  }
0x65: {  	_ =	shalt  }
0x66: {  	_ =	shalt  }
0x67: {  	_ =	shalt  }
0x68: {  	_ =	shalt  }
0x69: {  	_ =	shalt  }
0x6a: {  	_ =	shalt  }
0x6b: {  	_ =	shalt  }
0x6c: {  	_ =	shalt  }
0x6d: {  	_ =	shalt  }
0x6e: {  	_ =	shalt  }
0x6f: {  	_ =	shalt  }
0x70: {  	_ =	shalt  }
0x71: {  	_ =	shalt  }
0x72: {  	_ =	shalt  }
0x73: {  	_ =	shalt  }
0x74: {  	_ =	shalt  }
0x75: {  	_ =	shalt  }
0x76: {  	_ =	shalt  }
0x77: {  	_ =	shalt  }
0x78: {  	_ =	shalt  }
0x79: {  	_ =	shalt  }
0x7a: {  	_ =	shalt  }
0x7b: {  	_ =	shalt  }
0x7c: {  	_ =	shalt  }
0x7d: {  	_ =	shalt  }
0x7e: {  	_ =	shalt  }
0x7f: {  	_ =	shalt  }
0x80: {  	_ =	shalt  }
0x81: {  	_ =	shalt  }
0x82: {  	_ =	shalt  }
0x83: {  	_ =	shalt  }
0x84: {  	_ =	shalt  }
0x85: {  	_ =	shalt  }
0x86: {  	_ =	shalt  }
0x87: {  	_ =	shalt  }
.Lfunc_end0:
.L_simem_size_0:
called_computation_lowered:
.L_overlay_start_0:
0x88: {  	s2 =	sld [smem:$0x3FD9]  }
0x89: {  	s3 =	sld [smem:$0x3FFE];
	_ =	sdelay $0x1  }
0x8a: {  	s1 =	srdreg.scid  }
0x8b: {  	s0 =	sand.u32 $0x1, s1  }
0x8c: {  	s15 =	sshll.u32 s0, $0xA;
	s2 =	sadd.s32 s3, s2  }
0x8d: {  	s2 =	sadd.s32 s2, s15  }
0x8e: {  	[smem:$0x3FC7] =	sst s2  }
0x8f: {  	_ = 	snop  }
0x90: {  	s2 =	sld [smem:$0x3FD0];
	_ =	sdelay $0x2  }
0x91: {  	s4 =	simm.s32 $0xA;
	s5 =	simm.s32 $0x10;
	s16 =	sld [smem:$0x3FC9]  }
0x92: {  	[smem:s5], [sflag:s4] =	dma.local [hbm:s2], $0x1  }
0x93: {  	_ =	swait.eq [sflag:s4], $0x1  }
0x94: {  	[sflag:s4] =	ssyncset.done $0x0  }
0x95: {  	s17 =	sld [smem:$0x10];
	[sflag:s4] =	ssyncadd.s32 $0xFFFFFFFF  }
0x96: {  	s18 =	sld [smem:$0x12];
	(tm) =	ssettm $0x1  }
0x97: {  	s19 =	sld [smem:$0x3FFB];
	_ =	sdelay $0x3  }
0x98: {  	_ =	strace s19  }
0x99: {  	s5 =	sld [smem:$0x3FFC];
	_ =	sdelay $0x3  }
0x9a: {  	_ =	strace s5  }
0x9b: {  	s5 =	sld [smem:$0x3FFD];
	_ =	sdelay $0x3  }
0x9c: {  	_ =	strace s5  }
0x9d: {  	_ =	strace $0x8FFFFFFF  }
0x9e: {  	s20 =	sld [smem:$0x3FDB];
	_ =	sdelay $0x1  }
0x9f: {  	s6 =	simm.s32 $_scs_section_size  }
0xa0: {  	s7 =	simm.s32 $_size__tile_overlayer_lowered;
	s8 =	simm.s32 $_tile_overlayer_lowered  }
0xa1: {  	s23 =	simm.s32 $0x1BFF;
	s22 =	sshll.u32 s8, $0x1;
	s5 =	sadd.s32 s6, s20  }
0xa2: {  	s9 =	simm.s32 $0x0;
	s21 =	sshll.u32 s7, $0x1;
	s7 =	sadd.s32 s22, s5  }
0xa3: {  	[timem:s9], [sflag:s23] =	dma.local [hbm:s7], s21  }
0xa4: {  	_ =	swait.ge [sflag:s23], s21  }
0xa5: {  	s6 =	ssub.s32 $0x0, s21;
	[sflag:s23] =	ssyncset.done $0x0  }
0xa6: {  	[sflag:s23] =	ssyncadd.s32 s6;
	_ =	sdelay $0x1  }
0xa7: {  	s24 =	simm.s32 $0x1B8B  }
0xa8: {  	_ =	swait.ge [sflag:s24], $0x1  }
0xa9: {  	[sflag:s24] =	ssyncset.done $0x0  }
0xaa: {  	s25 =	simm.s32 $0x1B8E;
	[sflag:s24] =	ssyncadd.s32 $0xFFFFFFFF  }
0xab: {  	s26 =	simm.s32 $execute0_lowered;
	[smem:$0x3FD2] =	sst s25  }
0xac: {  	s6 =	sshll.u32 s26, $0x1;
	_ =	strace $0x80000046;
	[dreg:$0x1] =	wrdreg $0xFFFFFFFF  }
0xad: {  	s28 =	simm.s32 $_size_execute0_lowered;
	s5 =	sadd.s32 s5, s6;
	[dreg:$0x0] =	wrdreg $0x0  }
0xae: {  	s6 =	sshll.u32 s28, $0x1;
	[dreg:$0x2] =	wrdreg s5  }
0xaf: {  	[dreg:$0x3] =	wrdreg s6  }
0xb0: {  	[dreg:$0x4] =	wrdreg $0xC0  }
0xb1: {  	_ =	task [dreg:s9], $0x5FFFF  }
0xb2: {  	[dreg:$0x1] =	wrdreg $0xFFFFFFFF  }
0xb3: {  	[dreg:$0x0] =	wrdreg $0x60  }
0xb4: {  	[dreg:$0x2] =	wrdreg s16  }
0xb5: {  	[dreg:$0x3] =	wrdreg s17  }
0xb6: {  	[dreg:$0x4] =	wrdreg s18  }
0xb7: {  	[dreg:$0x5] =	wrdreg $0x9  }
0xb8: {  	_ =	task.clear_ibuf [dreg:s9], $0x6FFFF;
	_ =	strace $0x90000046  }
0xb9: {  	s29 =	simm.s32 $0x9;
	_ =	strace $0x80000048  }
0xba: {  	_ =	swait.ge [sflag:s29], $0x1  }
0xbb: {  	[sflag:s29] =	ssyncadd.s32 $0xFFFFFFFF  }
0xbc: {  	_ =	strace $0x90000048  }
0xbd: {  	_ =	sfence  }
0xbe: {  	s30 =	sld [smem:$0x0];
	_ =	sdelay $0x2  }
0xbf: {  	s31 =	sshll.u32 s1, $0xD;
	s1 =	sshrl.u32 s1, $0x2  }
0xc0: {  	s3 =	sand.u32 $0x4000, s31;
	s1 =	sadd.s32 s1, s30  }
0xc1: {  	s0 =	sor.u32 s3, s0;
	s1 =	sshll.u32 s1, $0x11  }
0xc2: {  	s0 =	sor.u32 s1, s0  }
0xc3: {  	s0 =	sadd.s32 $0x8F2B, s0  }
0xc4: {  	[sflag:s0] =	ssyncadd.remote.s32 $0x1  }
0xc5: {  	_ =	sfence.sel $0xFFFF  }
0xc6: {  	[dreg:$0x0] =	wrdreg $0xFFFFFFFF;
	(pc) =	sbr.abs _section_cstart, $3  }
0xc7: {  	[dreg:$0x1] =	wrdreg $0xFFFFFFFF  }
0xc8: {  	_ =	task.clear_ibuf [dreg:s9], $0x2FFFF;
	_ =	strace $0x9FFFFFFF  }
0xc9: {  	(tm) =	ssettm $0x7FFFFFFF  }
tec
execute0_lowered:
.L_overlay_start_1:
0x0: {  	(tag) =	ssettag $0x1  }
0x1: {  	s0 =	srdreg.scid;
	s1 =	stileid.u32  }
0x2: {  	s21 =	sand.u32 $0x1, s0;
	s23 =	sshll.u32 s1, $0x1  }
0x3: {  	s0 =	sor.u32 s21, s23  }
0x4: {  	p2 =	seq.s32 s0, $0x1  }
0x5: {  	s25 =	rddreg [dreg:$0x1];
	s1 =	simm.s32 @!p2 $0x0  }
0x6: {  	s14 =	rddreg [dreg:$0x2];
	p6 =	seq.s32 s0, $0x2;
	s1 =	simm.s32 @p2 $0x1  }
0x7: {  	s3 =	simm.s32 $0x20E0;
	[smem:$0x7DF] =	sst s1;
	s1 =	simm.s32 @!p6 $0x0  }
0x8: {  	s4 =	simm.s32 $0x2AA6;
	p4 =	seq.s32 s0, $0x3;
	s1 =	simm.s32 @p6 $0x1  }
0x9: {  	s3 =	simm.s32 @!p2 $0x35E;
	[smem:$0x7E6] =	sst s1;
	s1 =	simm.s32 @!p4 $0x0  }
0xa: {  	p0 =	seq.s32 s0, $0x4;
	s3 =	simm.s32 @p6 $0x41E5;
	s1 =	simm.s32 @p4 $0x1  }
0xb: {  	s3 =	simm.s32 @p4 $0x615D;
	[smem:$0x7E0] =	sst s1;
	s1 =	simm.s32 @!p0 $0x0  }
0xc: {  	s3 =	simm.s32 @p0 $0x8249;
	s1 =	simm.s32 @p0 $0x1;
	p0 =	seq.s32 s0, $0x5  }
0xd: {  	p3 =	seq.s32 s0, $0x7;
	p1 =	seq.s32 s0, $0x8;
	s2 =	simm.s32 @!p0 $0x0  }
0xe: {  	s3 =	simm.s32 @p0 $0xA2A3;
	s2 =	simm.s32 @p0 $0x1;
	p0 =	seq.s32 s0, $0x6  }
0xf: {  	p5 =	seq.s32 s0, $0x9;
	[smem:$0x7E2] =	sst s2;
	s2 =	simm.s32 @!p0 $0x0  }
0x10: {  	s4 =	simm.s32 @!p2 $0xB2A;
	[smem:$0x7E1] =	sst s1;
	s2 =	simm.s32 @p0 $0x1  }
0x11: {  	s4 =	simm.s32 @p6 $0x4978;
	[smem:$0x7E3] =	sst s2;
	s2 =	simm.s32 @!p3 $0x0  }
0x12: {  	s4 =	simm.s32 @p4 $0x69C4;
	s1 =	rddreg [dreg:$0x0];
	s2 =	simm.s32 @p3 $0x1  }
0x13: {  	p6 =	seq.s32 s0, $0xB;
	[smem:$0x7E9] =	sst s2;
	s2 =	simm.s32 @!p1 $0x0  }
0x14: {  	p4 =	seq.s32 s0, $0xC;
	s24 =	sld [smem:$0x7E1];
	s2 =	simm.s32 @p1 $0x1  }
0x15: {  	s3 =	simm.s32 @p0 $0xC23D;
	[smem:$0x7EA] =	sst s2;
	s2 =	simm.s32 @!p5 $0x0  }
0x16: {  	s3 =	simm.s32 @p3 $0xE066;
	p0 =	seq.s32 s0, $0xA;
	s2 =	simm.s32 @p5 $0x1  }
0x17: {  	s3 =	simm.s32 @p1 $0x10260;
	[smem:$0x7EB] =	sst s2;
	s2 =	simm.s32 @!p0 $0x0  }
0x18: {  	s26 =	sld [smem:$0x7E2];
	s3 =	simm.s32 @p5 $0x12337;
	s2 =	simm.s32 @p0 $0x1  }
0x19: {  	s3 =	simm.s32 @p0 $0x142D8;
	[smem:$0x7EC] =	sst s2;
	s2 =	simm.s32 @!p6 $0x0  }
0x1a: {  	s5 =	sld [smem:$0x7E3];
	s3 =	simm.s32 @p6 $0x161E2;
	s2 =	simm.s32 @p6 $0x1  }
0x1b: {  	p1 =	seq.s32 s24, $0x1;
	[smem:$0x7ED] =	sst s2;
	s2 =	simm.s32 @!p4 $0x0  }
0x1c: {  	s4 =	simm.s32 @p1 $0x8AFB;
	p1 =	seq.s32 s0, $0xD;
	s2 =	simm.s32 @p4 $0x1  }
0x1d: {  	s3 =	simm.s32 @p4 $0x18262;
	[smem:$0x7EE] =	sst s2;
	s2 =	simm.s32 @!p1 $0x0  }
0x1e: {  	s3 =	simm.s32 @p1 $0x1A2AB;
	s2 =	simm.s32 @p1 $0x1;
	p1 =	seq.s32 s26, $0x1  }
0x1f: {  	s6 =	sld [smem:$0x7EA];
	s4 =	simm.s32 @p1 $0xA936;
	p1 =	seq.s32 s0, $0xE  }
0x20: {  	[smem:$0x7E4] =	sst s2;
	s2 =	simm.s32 @!p1 $0x0  }
0x21: {  	s3 =	simm.s32 @p1 $0x1C188;
	s2 =	simm.s32 @p1 $0x1;
	p1 =	seq.s32 s5, $0x1  }
0x22: {  	s7 =	sld [smem:$0x7E4];
	s4 =	simm.s32 @p1 $0xC8B5;
	p1 =	seq.s32 s0, $0xF  }
0x23: {  	p2 =	seq.s32 s0, $0x11;
	[smem:$0x7EF] =	sst s2;
	s2 =	simm.s32 @!p1 $0x0  }
0x24: {  	s3 =	simm.s32 @p1 $0x1E123;
	s4 =	simm.s32 @p3 $0xE99E;
	p3 =	seq.s32 s0, $0x10  }
0x25: {  	s8 =	sld [smem:$0x7EF];
	s2 =	simm.s32 @p1 $0x1;
	s3 =	simm.s32 @p3 $0x20236  }
0x26: {  	p1 =	seq.s32 s6, $0x1;
	[smem:$0x7F0] =	sst s2;
	s2 =	simm.s32 @!p3 $0x0  }
0x27: {  	s4 =	simm.s32 @p1 $0x1099B;
	s3 =	simm.s32 @p2 $0x22075;
	p1 =	seq.s32 s7, $0x1  }
0x28: {  	s2 =	simm.s32 @p3 $0x1;
	s4 =	simm.s32 @p5 $0x12AEC;
	s9 =	sld [smem:$0x7F0]  }
0x29: {  	p5 =	seq.s32 s0, $0x12;
	[smem:$0x7F1] =	sst s2;
	s2 =	simm.s32 @!p2 $0x0  }
0x2a: {  	s3 =	simm.s32 @p5 $0x24176;
	s4 =	simm.s32 @p0 $0x14A27;
	s2 =	simm.s32 @p2 $0x1  }
0x2b: {  	p0 =	seq.s32 s0, $0x13;
	[smem:$0x7F2] =	sst s2;
	s2 =	simm.s32 @!p5 $0x0  }
0x2c: {  	s3 =	simm.s32 @p0 $0x26198;
	s4 =	simm.s32 @p6 $0x16A25;
	s2 =	simm.s32 @p5 $0x1  }
0x2d: {  	p6 =	seq.s32 s0, $0x16;
	[smem:$0x7F3] =	sst s2;
	s2 =	simm.s32 @!p0 $0x0  }
0x2e: {  	s4 =	simm.s32 @p4 $0x18B77;
	s2 =	simm.s32 @p0 $0x1;
	p0 =	seq.s32 s0, $0x14  }
0x2f: {  	p4 =	seq.s32 s0, $0x15;
	[smem:$0x7F4] =	sst s2;
	s2 =	simm.s32 @!p0 $0x0  }
0x30: {  	s4 =	simm.s32 @p1 $0x1A879;
	p1 =	seq.s32 s8, $0x1;
	s2 =	simm.s32 @p0 $0x1  }
0x31: {  	s4 =	simm.s32 @p1 $0x1CA31;
	[smem:$0x7F5] =	sst s2;
	s2 =	simm.s32 @!p4 $0x0  }
0x32: {  	p1 =	seq.s32 s0, $0x17;
	s3 =	simm.s32 @p0 $0x2817F;
	s2 =	simm.s32 @p4 $0x1  }
0x33: {  	s3 =	simm.s32 @p4 $0x2A2EE;
	[smem:$0x7F6] =	sst s2;
	s2 =	simm.s32 @!p6 $0x0  }
0x34: {  	s10 =	sld [smem:$0x7F4];
	s3 =	simm.s32 @p6 $0x2C152;
	s2 =	simm.s32 @p6 $0x1  }
0x35: {  	s3 =	simm.s32 @p1 $0x2E18D;
	[smem:$0x7F7] =	sst s2;
	s2 =	simm.s32 @!p1 $0x0  }
0x36: {  	p4 =	seq.s32 s0, $0x19;
	s2 =	simm.s32 @p1 $0x1;
	p1 =	seq.s32 s9, $0x1  }
0x37: {  	s11 =	sld [smem:$0x7F6];
	s4 =	simm.s32 @p1 $0x1E878;
	p1 =	seq.s32 s0, $0x18  }
0x38: {  	[smem:$0x7F8] =	sst s2;
	s2 =	simm.s32 @!p1 $0x0;
	s3 =	simm.s32 @p1 $0x301A0  }
0x39: {  	s4 =	simm.s32 @p3 $0x20979;
	p3 =	seq.s32 s10, $0x1;
	s12 =	sld [smem:$0x7F8]  }
0x3a: {  	s2 =	simm.s32 @p1 $0x1;
	s3 =	simm.s32 @p4 $0x3222C;
	s4 =	simm.s32 @p2 $0x22B68  }
0x3b: {  	p2 =	seq.s32 s0, $0x1A;
	[smem:$0x7F9] =	sst s2;
	s2 =	simm.s32 @!p4 $0x0  }
0x3c: {  	s3 =	simm.s32 @p2 $0x34225;
	s4 =	simm.s32 @p5 $0x249DC;
	p5 =	seq.s32 s0, $0x1B  }
0x3d: {  	p1 =	seq.s32 s0, $0x1C;
	s2 =	simm.s32 @p4 $0x1;
	s3 =	simm.s32 @p5 $0x3632A  }
0x3e: {  	s4 =	simm.s32 @p3 $0x26AB2;
	p3 =	seq.s32 s0, $0x1D;
	s5 =	sld [smem:$0x7F9]  }
0x3f: {  	[smem:$0x7FA] =	sst s2;
	s2 =	simm.s32 @!p2 $0x0;
	s3 =	simm.s32 @p1 $0x380AA  }
0x40: {  	s4 =	simm.s32 @p0 $0x28A01;
	p0 =	seq.s32 s11, $0x1;
	s2 =	simm.s32 @p2 $0x1  }
0x41: {  	s3 =	simm.s32 @p3 $0x3A27D;
	[smem:$0x7FB] =	sst s2;
	s2 =	simm.s32 @!p5 $0x0  }
0x42: {  	s4 =	simm.s32 @p0 $0x2AB4E;
	p0 =	seq.s32 s0, $0x1E;
	s2 =	simm.s32 @p5 $0x1  }
0x43: {  	s3 =	simm.s32 @p0 $0x3C298;
	[smem:$0x7FC] =	sst s2;
	s2 =	simm.s32 @!p1 $0x0  }
0x44: {  	s4 =	simm.s32 @p6 $0x2C9BB;
	p6 =	seq.s32 s0, $0x1F;
	s2 =	simm.s32 @p1 $0x1  }
0x45: {  	s0 =	sshll.u32 s0, $0x6;
	[smem:$0x7E5] =	sst s2;
	s2 =	simm.s32 @!p3 $0x0  }
0x46: {  	s3 =	simm.s32 @p6 $0x3E0BF;
	s15 =	sadd.s32 s25, s0;
	s2 =	simm.s32 @p3 $0x1  }
0x47: {  	s16 =	sadd.s32 s14, s0;
	[smem:$0x7FD] =	sst s2;
	s2 =	simm.s32 @!p0 $0x0  }
0x48: {  	s6 =	sor.u32 $0xE0000, s0;
	s20 =	sor.u32 $0x1BF800, s0;
	s2 =	simm.s32 @p0 $0x1  }
0x49: {  	s3 =	sshll.u32 s3, $0x4;
	[smem:$0x7E7] =	sst s2;
	s2 =	simm.s32 @!p6 $0x0  }
0x4a: {  	s26 =	sor.u32 $0x10, s0;
	s3 =	sand.u32 $0x1FFFFFF0, s3;
	s2 =	simm.s32 @p6 $0x1  }
0x4b: {  	s3 =	sadd.s32 s1, s3;
	[smem:$0x7E8] =	sst s2;
	s2 =	simm.s32 $0x0  }
0x4c: {  	s8 =	sor.u32 $0xE0010, s0;
	s13 =	sadd.s32 $0x1C00, s3;
	[smem:$0x7FF] =	sst s2  }
0x4d: {  	p0 =	seq.s32 s12, $0x1;
	_ =	strace $0x80000047;
	[dreg:$0x4] =	wrdreg s13  }
0x4e: {  	s4 =	simm.s32 @p0 $0x2EB37;
	p0 =	seq.s32 s5, $0x1;
	[dreg:$0x5] =	wrdreg s15  }
0x4f: {  	s17 =	sadd.s32 $0x37F0, s3;
	s4 =	simm.s32 @p0 $0x309D0;
	[dreg:$0x6] =	wrdreg s16  }
0x50: {  	s18 =	sadd.s32 s25, s6;
	s4 =	simm.s32 @p4 $0x32B65;
	[dreg:$0x7] =	wrdreg s17  }
0x51: {  	s19 =	sadd.s32 s14, s6;
	s4 =	simm.s32 @p2 $0x34A61;
	[dreg:$0x8] =	wrdreg s18  }
0x52: {  	s22 =	sadd.s32 s25, s20;
	s4 =	simm.s32 @p5 $0x36966;
	s7 =	sld [smem:$0x7E7]  }
0x53: {  	s23 =	sadd.s32 s14, s20;
	[dreg:$0x9] =	wrdreg s19;
	s4 =	simm.s32 @p1 $0x389AB  }
0x54: {  	[tilespmem:s2], [sflag:$0x1] =	stream.linear.gather [hbm4b:s3+s2], $0xE000, $0x38;
	[tilespmem:$0x1C000] =	vst v63  }
0x55: {  	[dreg:$0xa] =	wrdreg s22;
	s4 =	simm.s32 @p3 $0x3AA83;
	p0 =	seq.s32 s7, $0x1  }
0x56: {  	s6 =	sadd.s32 s14, s26;
	[dreg:$0xb] =	wrdreg s23;
	s4 =	simm.s32 @p0 $0x3CB4F  }
0x57: {  	s9 =	sadd.s32 s25, s8;
	[dreg:$0xe] =	wrdreg s6;
	s4 =	simm.s32 @p6 $0x3E96C  }
0x58: {  	s10 =	sadd.s32 s14, s8;
	[dreg:$0x10] =	wrdreg s9;
	s4 =	sshll.u32 s4, $0x4  }
0x59: {  	[dreg:$0x11] =	wrdreg s10;
	s4 =	sand.u32 $0x1FFFFFF0, s4  }
0x5a: {  	[dreg:$0x12] =	wrdreg s3;
	s13 =	sadd.s32 s1, s4;
	s4 =	sadd.s32 s25, s26  }
0x5b: {  	s24 =	sadd.s32 $0x1C00, s13;
	[dreg:$0xd] =	wrdreg s4  }
0x5c: {  	s7 =	sadd.s32 $0x37F0, s13;
	[dreg:$0xc] =	wrdreg s24  }
0x5d: {  	s5 =	simm.s32 $0x1;
	[dreg:$0xf] =	wrdreg s7  }
0x5e: {  	_ =	swait.ge [sflag:s5], $0xE000  }
0x5f: {  	s8 =	simm.s32 $0x3;
	[sflag:s5] =	ssyncset.done $0x0  }
0x60: {  	s6 =	simm.s32 $0xE000;
	s11 =	rddreg [dreg:$0x4];
	[sflag:s5] =	ssyncadd.s32 $0xFFFF2000  }
0x61: {  	[tilespmem:s6], [sflag:$0x2] =	stream.linear.gather [hbm4b:s11+s2], $0xE000, $0x38;
	[tilespmem:$0x1C000] =	vst v63  }
0x62: {  	s9 =	simm.s32 $0x4000;
	s7 =	simm.s32 $0x80;
	s10 =	rddreg [dreg:$0x5]  }
0x63: {  	[hbm4b:s10+s7] =	stream.strided.scatter [tilespmem:s2], [sflag:$0x3], $0xE000, s9, s7, $0x38;
	[tilespmem:$0x1C000] =	vst v63  }
0x64: {  	_ =	swait.ge [sflag:s8], $0xE000  }
0x65: {  	[sflag:s8] =	ssyncset.done $0x0  }
0x66: {  	s12 =	rddreg [dreg:$0x6];
	[sflag:s8] =	ssyncadd.s32 $0xFFFF2000  }
0x67: {  	[hbm4b:s12+s7] =	stream.strided.scatter [tilespmem:s2], [sflag:$0x3], $0xE000, s9, s7, $0x38;
	[tilespmem:$0x1C000] =	vst v63  }
0x68: {  	_ =	swait.ge [sflag:s8], $0xE000  }
0x69: {  	[sflag:s8] =	ssyncset.done $0x0  }
0x6a: {  	s10 =	simm.s32 $0x2;
	[sflag:s8] =	ssyncadd.s32 $0xFFFF2000  }
0x6b: {  	_ =	swait.ge [sflag:s10], $0xE000  }
0x6c: {  	[sflag:s10] =	ssyncset.done $0x0  }
0x6d: {  	s11 =	rddreg [dreg:$0x7];
	[sflag:s10] =	ssyncadd.s32 $0xFFFF2000  }
0x6e: {  	[tilespmem:s2], [sflag:$0x1] =	stream.linear.gather [hbm4b:s11+s2], $0x5400, $0x38;
	[tilespmem:$0x1C000] =	vst v63  }
0x6f: {  	s12 =	rddreg [dreg:$0x8]  }
0x70: {  	[hbm4b:s12+s7] =	stream.strided.scatter [tilespmem:s6], [sflag:$0x3], $0xE000, s9, s7, $0x38;
	[tilespmem:$0x1C000] =	vst v63  }
0x71: {  	_ =	swait.ge [sflag:s8], $0xE000  }
0x72: {  	[sflag:s8] =	ssyncset.done $0x0  }
0x73: {  	s15 =	rddreg [dreg:$0x9];
	[sflag:s8] =	ssyncadd.s32 $0xFFFF2000  }
0x74: {  	[hbm4b:s15+s7] =	stream.strided.scatter [tilespmem:s6], [sflag:$0x3], $0xE000, s9, s7, $0x38;
	[tilespmem:$0x1C000] =	vst v63  }
0x75: {  	_ =	swait.ge [sflag:s8], $0xE000  }
0x76: {  	[sflag:s8] =	ssyncset.done $0x0  }
0x77: {  	[sflag:s8] =	ssyncadd.s32 $0xFFFF2000  }
0x78: {  	_ =	swait.ge [sflag:s5], $0x5400  }
0x79: {  	[sflag:s5] =	ssyncset.done $0x0  }
0x7a: {  	[sflag:s5] =	ssyncadd.s32 $0xFFFFAC00  }
0x7b: {  	[tilespmem:s6], [sflag:$0x2] =	stream.linear.gather [hbm4b:s13+s2], $0xE000, $0x38;
	[tilespmem:$0x1C000] =	vst v63  }
0x7c: {  	s16 =	rddreg [dreg:$0xa]  }
0x7d: {  	[hbm4b:s16+s7] =	stream.strided.scatter [tilespmem:s2], [sflag:$0x3], $0x5400, s9, s7, $0x38;
	[tilespmem:$0x1C000] =	vst v63  }
0x7e: {  	s17 =	sld [smem:$0x7DF];
	_ =	swait.ge [sflag:s8], $0x5400  }
0x7f: {  	s18 =	sld [smem:$0x7E6]  }
0x80: {  	s19 =	rddreg [dreg:$0xb]  }
0x81: {  	s20 =	sld [smem:$0x7E0];
	[sflag:s8] =	ssyncset.done $0x0  }
0x82: {  	s22 =	sld [smem:$0x7E1];
	[sflag:s8] =	ssyncadd.s32 $0xFFFFAC00  }
0x83: {  	[hbm4b:s19+s7] =	stream.strided.scatter [tilespmem:s2], [sflag:$0x3], $0x5400, s9, s7, $0x38;
	[tilespmem:$0x1C000] =	vst v63  }
0x84: {  	s23 =	sld [smem:$0x7E2];
	_ =	swait.ge [sflag:s8], $0x5400  }
0x85: {  	s4 =	smov.u32 s13;
	s24 =	sld [smem:$0x7E3];
	[sflag:s8] =	ssyncset.done $0x0  }
0x86: {  	s11 =	simm.s32 $0x334C;
	s26 =	sld [smem:$0x7E9];
	[sflag:s8] =	ssyncadd.s32 $0xFFFFAC00  }
0x87: {  	p0 =	seq.s32 s17, $0x1;
	s12 =	sld [smem:$0x7EA];
	_ =	swait.ge [sflag:s10], $0xE000  }
0x88: {  	s11 =	simm.s32 @!p0 $0x12E4;
	p1 =	seq.s32 s18, $0x1;
	s13 =	sld [smem:$0x7EB]  }
0x89: {  	s11 =	simm.s32 @p1 $0x5111;
	p1 =	seq.s32 s20, $0x1;
	s15 =	rddreg [dreg:$0xc]  }
0x8a: {  	p2 =	seq.s32 s22, $0x1;
	s11 =	simm.s32 @p1 $0x7233;
	s16 =	sld [smem:$0x7EC]  }
0x8b: {  	p3 =	seq.s32 s23, $0x1;
	s11 =	simm.s32 @p2 $0x91ED;
	s17 =	sld [smem:$0x7ED]  }
0x8c: {  	s11 =	simm.s32 @p3 $0xB350;
	[sflag:s10] =	ssyncset.done $0x0;
	s18 =	rddreg [dreg:$0xd]  }
0x8d: {  	p5 =	seq.s32 s24, $0x1;
	s19 =	sld [smem:$0x7EE];
	[sflag:s10] =	ssyncadd.s32 $0xFFFF2000  }
0x8e: {  	[tilespmem:s2], [sflag:$0x1] =	stream.linear.gather [hbm4b:s15+s2], $0xE000, $0x38;
	[tilespmem:$0x1C000] =	vst v63  }
0x8f: {  	p4 =	seq.s32 s26, $0x1;
	s20 =	sld [smem:$0x7E4];
	s11 =	simm.s32 @p5 $0xD0EC  }
0x90: {  	[hbm4b:s18+s7] =	stream.strided.scatter [tilespmem:s6], [sflag:$0x3], $0xE000, s9, s7, $0x38;
	[tilespmem:$0x1C000] =	vst v63  }
0x91: {  	s11 =	simm.s32 @p4 $0xF275;
	p4 =	seq.s32 s12, $0x1;
	_ =	swait.ge [sflag:s8], $0xE000  }
0x92: {  	s11 =	simm.s32 @p4 $0x11130;
	p4 =	seq.s32 s13, $0x1;
	s22 =	sld [smem:$0x7EF]  }
0x93: {  	s11 =	simm.s32 @p4 $0x132D2;
	p4 =	seq.s32 s16, $0x1;
	s23 =	rddreg [dreg:$0xe]  }
0x94: {  	s11 =	simm.s32 @p4 $0x1527D;
	s24 =	sld [smem:$0x7F0];
	[sflag:s8] =	ssyncset.done $0x0  }
0x95: {  	p4 =	seq.s32 s17, $0x1;
	s26 =	sld [smem:$0x7F1];
	[sflag:s8] =	ssyncadd.s32 $0xFFFF2000  }
0x96: {  	[hbm4b:s23+s7] =	stream.strided.scatter [tilespmem:s6], [sflag:$0x3], $0xE000, s9, s7, $0x38;
	[tilespmem:$0x1C000] =	vst v63  }
0x97: {  	s11 =	simm.s32 @p4 $0x17290;
	s13 =	sld [smem:$0x7F2];
	_ =	swait.ge [sflag:s8], $0xE000  }
0x98: {  	p4 =	seq.s32 s19, $0x1;
	s15 =	sld [smem:$0x7F3];
	[sflag:s8] =	ssyncset.done $0x0  }
0x99: {  	s11 =	simm.s32 @p4 $0x19250;
	s16 =	sld [smem:$0x7F4];
	[sflag:s8] =	ssyncadd.s32 $0xFFFF2000  }
0x9a: {  	p4 =	seq.s32 s20, $0x1;
	s17 =	sld [smem:$0x7F5];
	_ =	swait.ge [sflag:s5], $0xE000  }
0x9b: {  	s11 =	simm.s32 @p4 $0x1B1AF;
	p6 =	seq.s32 s22, $0x1;
	s18 =	sld [smem:$0x7F6]  }
0x9c: {  	s11 =	simm.s32 @p6 $0x1D06E;
	p6 =	seq.s32 s24, $0x1;
	s19 =	rddreg [dreg:$0xf]  }
0x9d: {  	s11 =	simm.s32 @p6 $0x1F1CE;
	p6 =	seq.s32 s26, $0x1;
	s20 =	sld [smem:$0x7F7]  }
0x9e: {  	s11 =	simm.s32 @p6 $0x212F8;
	p6 =	seq.s32 s13, $0x1;
	s22 =	sld [smem:$0x7F8]  }
0x9f: {  	s3 =	smov.u32 s14;
	s11 =	simm.s32 @p6 $0x23322;
	s23 =	rddreg [dreg:$0x10]  }
0xa0: {  	p6 =	seq.s32 s15, $0x1;
	[sflag:s5] =	ssyncset.done $0x0;
	s24 =	sld [smem:$0x7F9]  }
0xa1: {  	s11 =	simm.s32 @p6 $0x251C3;
	p6 =	seq.s32 s16, $0x1;
	[sflag:s5] =	ssyncadd.s32 $0xFFFF2000  }
0xa2: {  	[tilespmem:s6], [sflag:$0x2] =	stream.linear.gather [hbm4b:s19+s2], $0x5400, $0x38;
	[tilespmem:$0x1C000] =	vst v63  }
0xa3: {  	s26 =	sld [smem:$0x7FA];
	s11 =	simm.s32 @p6 $0x27105;
	p6 =	seq.s32 s17, $0x1  }
0xa4: {  	[hbm4b:s23+s7] =	stream.strided.scatter [tilespmem:s2], [sflag:$0x3], $0xE000, s9, s7, $0x38;
	[tilespmem:$0x1C000] =	vst v63  }
0xa5: {  	s11 =	simm.s32 @p6 $0x29369;
	p6 =	seq.s32 s18, $0x1;
	_ =	swait.ge [sflag:s8], $0xE000  }
0xa6: {  	s11 =	simm.s32 @p6 $0x2B0B6;
	p6 =	seq.s32 s20, $0x1;
	s12 =	sld [smem:$0x7FB]  }
0xa7: {  	s20 =	simm.s32 $0x3A5B;
	s23 =	sor.u32 $0x1BF810, s0;
	s13 =	rddreg [dreg:$0x11]  }
0xa8: {  	s11 =	simm.s32 @p6 $0x2D2A9;
	p6 =	seq.s32 s22, $0x1;
	s15 =	sld [smem:$0x7FC]  }
0xa9: {  	s20 =	simm.s32 @!p0 $0x18EF;
	s11 =	simm.s32 @p6 $0x2F0F6;
	s16 =	sld [smem:$0x7E5]  }
0xaa: {  	p6 =	seq.s32 s24, $0x1;
	[sflag:s8] =	ssyncset.done $0x0;
	s17 =	sld [smem:$0x7E6]  }
0xab: {  	s11 =	simm.s32 @p6 $0x31362;
	p6 =	seq.s32 s26, $0x1;
	[sflag:s8] =	ssyncadd.s32 $0xFFFF2000  }
0xac: {  	[hbm4b:s13+s7] =	stream.strided.scatter [tilespmem:s2], [sflag:$0x3], $0xE000, s9, s7, $0x38;
	[tilespmem:$0x1C000] =	vst v63  }
0xad: {  	s18 =	sld [smem:$0x7FD];
	s11 =	simm.s32 @p6 $0x33293;
	p6 =	seq.s32 s12, $0x1  }
0xae: {  	p0 =	seq.s32 s17, $0x1;
	_ =	swait.ge [sflag:s8], $0xE000;
	s11 =	simm.s32 @p6 $0x352AB  }
0xaf: {  	p6 =	seq.s32 s15, $0x1;
	s20 =	simm.s32 @p0 $0x5973;
	s19 =	sld [smem:$0x7E7]  }
0xb0: {  	s22 =	sld [smem:$0x7E8];
	s11 =	simm.s32 @p6 $0x370AC;
	p6 =	seq.s32 s16, $0x1  }
0xb1: {  	p0 =	seq.s32 s18, $0x1;
	[sflag:s8] =	ssyncset.done $0x0;
	s11 =	simm.s32 @p6 $0x3908A  }
0xb2: {  	s20 =	simm.s32 @p1 $0x795B;
	s11 =	simm.s32 @p0 $0x3B366;
	p1 =	seq.s32 s19, $0x1  }
0xb3: {  	s20 =	simm.s32 @p2 $0x9A91;
	p2 =	seq.s32 s22, $0x1;
	s11 =	simm.s32 @p1 $0x3D25B  }
0xb4: {  	s13 =	sadd.s32 s14, s23;
	[sflag:s8] =	ssyncadd.s32 $0xFFFF2000;
	s11 =	simm.s32 @p2 $0x3F069  }
0xb5: {  	_ =	swait.ge [sflag:s10], $0x5400;
	s20 =	simm.s32 @p3 $0xBA56;
	s11 =	sshll.u32 s11, $0x4  }
0xb6: {  	[sflag:s10] =	ssyncset.done $0x0;
	s24 =	sld [smem:$0x7E9];
	s11 =	sand.u32 $0x1FFFFFF0, s11  }
0xb7: {  	s26 =	sld [smem:$0x7EA];
	[sflag:s10] =	ssyncadd.s32 $0xFFFFAC00;
	s11 =	sadd.s32 s1, s11  }
0xb8: {  	[tilespmem:s2], [sflag:$0x1] =	stream.linear.gather [hbm4b:s11+s2], $0xE000, $0x38;
	[tilespmem:$0x1C000] =	vst v63  }
0xb9: {  	s12 =	sadd.s32 s25, s23;
	s20 =	simm.s32 @p5 $0xD9E8;
	p0 =	seq.s32 s24, $0x1  }
0xba: {  	[hbm4b:s12+s7] =	stream.strided.scatter [tilespmem:s6], [sflag:$0x3], $0x5400, s9, s7, $0x38;
	[tilespmem:$0x1C000] =	vst v63  }
0xbb: {  	s20 =	simm.s32 @p0 $0xF998;
	p0 =	seq.s32 s26, $0x1;
	_ =	swait.ge [sflag:s8], $0x5400  }
0xbc: {  	s20 =	simm.s32 @p0 $0x11967;
	s15 =	sld [smem:$0x7EB];
	[sflag:s8] =	ssyncset.done $0x0  }
0xbd: {  	s14 =	sadd.s32 $0x1C00, s11;
	s16 =	sld [smem:$0x7EC];
	[sflag:s8] =	ssyncadd.s32 $0xFFFFAC00  }
0xbe: {  	[hbm4b:s13+s7] =	stream.strided.scatter [tilespmem:s6], [sflag:$0x3], $0x5400, s9, s7, $0x38;
	[tilespmem:$0x1C000] =	vst v63  }
0xbf: {  	s17 =	sld [smem:$0x7ED];
	p0 =	seq.s32 s15, $0x1;
	_ =	swait.ge [sflag:s8], $0x5400  }
0xc0: {  	s20 =	simm.s32 @p0 $0x13A0E;
	s18 =	sld [smem:$0x7EE];
	[sflag:s8] =	ssyncset.done $0x0  }
0xc1: {  	p0 =	seq.s32 s16, $0x1;
	s19 =	sld [smem:$0x7EF];
	[sflag:s8] =	ssyncadd.s32 $0xFFFFAC00  }
0xc2: {  	s20 =	simm.s32 @p0 $0x158A6;
	p0 =	seq.s32 s17, $0x1;
	_ =	swait.ge [sflag:s5], $0xE000  }
0xc3: {  	s20 =	simm.s32 @p0 $0x17998;
	p0 =	seq.s32 s18, $0x1;
	s22 =	sld [smem:$0x7F0]  }
0xc4: {  	[sflag:s5] =	ssyncset.done $0x0;
	s15 =	sld [smem:$0x7F1];
	s20 =	simm.s32 @p0 $0x1988A  }
0xc5: {  	p0 =	seq.s32 s19, $0x1;
	[sflag:s5] =	ssyncadd.s32 $0xFFFF2000;
	s20 =	simm.s32 @p4 $0x1BACC  }
0xc6: {  	[tilespmem:s6], [sflag:$0x2] =	stream.linear.gather [hbm4b:s14+s2], $0xE000, $0x38;
	[tilespmem:$0x1C000] =	vst v63  }
0xc7: {  	s16 =	sor.u32 $0x20, s0;
	s20 =	simm.s32 @p0 $0x1D89F;
	p0 =	seq.s32 s22, $0x1  }
0xc8: {  	s20 =	simm.s32 @p0 $0x1FB41;
	p0 =	seq.s32 s15, $0x1;
	s15 =	sadd.s32 s25, s16  }
0xc9: {  	[hbm4b:s15+s7] =	stream.strided.scatter [tilespmem:s2], [sflag:$0x3], $0xE000, s9, s7, $0x38;
	[tilespmem:$0x1C000] =	vst v63  }
0xca: {  	s17 =	sld [smem:$0x7F2];
	_ =	swait.ge [sflag:s8], $0xE000  }
0xcb: {  	s16 =	sadd.s32 s3, s16;
	s23 =	sld [smem:$0x7F3];
	[sflag:s8] =	ssyncset.done $0x0  }
0xcc: {  	s20 =	simm.s32 @p0 $0x21AC7;
	s24 =	sld [smem:$0x7F4];
	[sflag:s8] =	ssyncadd.s32 $0xFFFF2000  }
0xcd: {  	[hbm4b:s16+s7] =	stream.strided.scatter [tilespmem:s2], [sflag:$0x3], $0xE000, s9, s7, $0x38;
	[tilespmem:$0x1C000] =	vst v63  }
0xce: {  	p0 =	seq.s32 s17, $0x1;
	s26 =	sld [smem:$0x7F5];
	_ =	swait.ge [sflag:s8], $0xE000  }
0xcf: {  	s20 =	simm.s32 @p0 $0x238DD;
	p0 =	seq.s32 s23, $0x1;
	s18 =	sld [smem:$0x7F6]  }
0xd0: {  	s20 =	simm.s32 @p0 $0x258FA;
	[sflag:s8] =	ssyncset.done $0x0;
	s19 =	sld [smem:$0x7F7]  }
0xd1: {  	p0 =	seq.s32 s24, $0x1;
	s22 =	sld [smem:$0x7F8];
	[sflag:s8] =	ssyncadd.s32 $0xFFFF2000  }
0xd2: {  	s20 =	simm.s32 @p0 $0x27AE7;
	p0 =	seq.s32 s26, $0x1;
	_ =	swait.ge [sflag:s10], $0xE000  }
0xd3: {  	s17 =	sadd.s32 $0x37F0, s11;
	s20 =	simm.s32 @p0 $0x29976;
	s23 =	sld [smem:$0x7F9]  }
0xd4: {  	p0 =	seq.s32 s18, $0x1;
	[sflag:s10] =	ssyncset.done $0x0;
	s18 =	sld [smem:$0x7FA]  }
0xd5: {  	s20 =	simm.s32 @p0 $0x2BB78;
	p0 =	seq.s32 s19, $0x1;
	s19 =	sor.u32 $0xE0020, s0  }
0xd6: {  	[sflag:s10] =	ssyncadd.s32 $0xFFFF2000;
	s20 =	simm.s32 @p0 $0x2D91D;
	p0 =	seq.s32 s22, $0x1  }
0xd7: {  	[tilespmem:s2], [sflag:$0x1] =	stream.linear.gather [hbm4b:s17+s2], $0x5400, $0x38;
	[tilespmem:$0x1C000] =	vst v63  }
0xd8: {  	s22 =	sld [smem:$0x7FB];
	s20 =	simm.s32 @p0 $0x2FB16;
	p0 =	seq.s32 s23, $0x1  }
0xd9: {  	s20 =	simm.s32 @p0 $0x3195C;
	p0 =	seq.s32 s18, $0x1;
	s18 =	sadd.s32 s25, s19  }
0xda: {  	[hbm4b:s18+s7] =	stream.strided.scatter [tilespmem:s6], [sflag:$0x3], $0xE000, s9, s7, $0x38;
	[tilespmem:$0x1C000] =	vst v63  }
0xdb: {  	s19 =	sadd.s32 s3, s19;
	_ =	swait.ge [sflag:s8], $0xE000  }
0xdc: {  	s20 =	simm.s32 @p0 $0x33A34;
	s24 =	sld [smem:$0x7FC];
	[sflag:s8] =	ssyncset.done $0x0  }
0xdd: {  	p0 =	seq.s32 s22, $0x1;
	s26 =	sld [smem:$0x7FD];
	[sflag:s8] =	ssyncadd.s32 $0xFFFF2000  }
0xde: {  	[hbm4b:s19+s7] =	stream.strided.scatter [tilespmem:s6], [sflag:$0x3], $0xE000, s9, s7, $0x38;
	[tilespmem:$0x1C000] =	vst v63  }
0xdf: {  	s20 =	simm.s32 @p0 $0x358F4;
	p0 =	seq.s32 s24, $0x1  }
0xe0: {  	s20 =	simm.s32 @p0 $0x37B27  }
0xe1: {  	p0 =	seq.s32 s26, $0x1;
	s20 =	simm.s32 @p6 $0x39A73  }
0xe2: {  	_ =	swait.ge [sflag:s8], $0xE000;
	s20 =	simm.s32 @p0 $0x3BB8C  }
0xe3: {  	[sflag:s8] =	ssyncset.done $0x0;
	s20 =	simm.s32 @p1 $0x3D931  }
0xe4: {  	[sflag:s8] =	ssyncadd.s32 $0xFFFF2000;
	s20 =	simm.s32 @p2 $0x3F976  }
0xe5: {  	_ =	swait.ge [sflag:s5], $0x5400;
	s20 =	sshll.u32 s20, $0x4  }
0xe6: {  	[sflag:s5] =	ssyncset.done $0x0;
	s20 =	sand.u32 $0x1FFFFFF0, s20  }
0xe7: {  	s23 =	sor.u32 $0x1BF820, s0;
	[sflag:s5] =	ssyncadd.s32 $0xFFFFAC00;
	s20 =	sadd.s32 s1, s20  }
0xe8: {  	[tilespmem:s6], [sflag:$0x2] =	stream.linear.gather [hbm4b:s20+s2], $0xE000, $0x38;
	[tilespmem:$0x1C000] =	vst v63  }
0xe9: {  	s22 =	sadd.s32 s25, s23  }
0xea: {  	[hbm4b:s22+s7] =	stream.strided.scatter [tilespmem:s2], [sflag:$0x3], $0x5400, s9, s7, $0x38;
	[tilespmem:$0x1C000] =	vst v63  }
0xeb: {  	_ =	swait.ge [sflag:s8], $0x5400  }
0xec: {  	[sflag:s8] =	ssyncset.done $0x0  }
0xed: {  	s23 =	sadd.s32 s3, s23;
	[sflag:s8] =	ssyncadd.s32 $0xFFFFAC00  }
0xee: {  	[hbm4b:s23+s7] =	stream.strided.scatter [tilespmem:s2], [sflag:$0x3], $0x5400, s9, s7, $0x38;
	[tilespmem:$0x1C000] =	vst v63  }
0xef: {  	_ =	swait.ge [sflag:s8], $0x5400  }
0xf0: {  	[sflag:s8] =	ssyncset.done $0x0  }
0xf1: {  	[sflag:s8] =	ssyncadd.s32 $0xFFFFAC00  }
0xf2: {  	_ =	swait.ge [sflag:s10], $0xE000  }
0xf3: {  	[sflag:s10] =	ssyncset.done $0x0  }
0xf4: {  	s24 =	sor.u32 $0x30, s0;
	s26 =	sadd.s32 $0x1C00, s20;
	[sflag:s10] =	ssyncadd.s32 $0xFFFF2000  }
0xf5: {  	[tilespmem:s2], [sflag:$0x1] =	stream.linear.gather [hbm4b:s26+s2], $0xE000, $0x38;
	[tilespmem:$0x1C000] =	vst v63  }
0xf6: {  	s28 =	sadd.s32 s25, s24  }
0xf7: {  	[hbm4b:s28+s7] =	stream.strided.scatter [tilespmem:s6], [sflag:$0x3], $0xE000, s9, s7, $0x38;
	[tilespmem:$0x1C000] =	vst v63  }
0xf8: {  	_ =	swait.ge [sflag:s8], $0xE000  }
0xf9: {  	[sflag:s8] =	ssyncset.done $0x0  }
0xfa: {  	s29 =	sadd.s32 s3, s24;
	[sflag:s8] =	ssyncadd.s32 $0xFFFF2000  }
0xfb: {  	[hbm4b:s29+s7] =	stream.strided.scatter [tilespmem:s6], [sflag:$0x3], $0xE000, s9, s7, $0x38;
	[tilespmem:$0x1C000] =	vst v63  }
0xfc: {  	_ =	swait.ge [sflag:s8], $0xE000  }
0xfd: {  	[sflag:s8] =	ssyncset.done $0x0  }
0xfe: {  	[sflag:s8] =	ssyncadd.s32 $0xFFFF2000  }
0xff: {  	_ =	swait.ge [sflag:s5], $0xE000  }
0x100: {  	[sflag:s5] =	ssyncset.done $0x0  }
0x101: {  	s24 =	sor.u32 $0xE0030, s0;
	s30 =	sadd.s32 $0x37F0, s20;
	[sflag:s5] =	ssyncadd.s32 $0xFFFF2000  }
0x102: {  	[tilespmem:s6], [sflag:$0x2] =	stream.linear.gather [hbm4b:s30+s2], $0x5400, $0x38;
	[tilespmem:$0x1C000] =	vst v63  }
0x103: {  	s31 =	sadd.s32 s25, s24  }
0x104: {  	[hbm4b:s31+s7] =	stream.strided.scatter [tilespmem:s2], [sflag:$0x3], $0xE000, s9, s7, $0x38;
	[tilespmem:$0x1C000] =	vst v63  }
0x105: {  	_ =	swait.ge [sflag:s8], $0xE000  }
0x106: {  	[sflag:s8] =	ssyncset.done $0x0  }
0x107: {  	s1 =	sadd.s32 s3, s24;
	[sflag:s8] =	ssyncadd.s32 $0xFFFF2000  }
0x108: {  	[hbm4b:s1+s7] =	stream.strided.scatter [tilespmem:s2], [sflag:$0x3], $0xE000, s9, s7, $0x38;
	[tilespmem:$0x1C000] =	vst v63  }
0x109: {  	_ =	swait.ge [sflag:s8], $0xE000  }
0x10a: {  	[sflag:s8] =	ssyncset.done $0x0  }
0x10b: {  	s24 =	sor.u32 $0x1BF830, s0;
	s0 =	ssub.s32 $0x2, s21;
	[sflag:s8] =	ssyncadd.s32 $0xFFFF2000  }
0x10c: {  	s21 =	sadd.s32 s25, s24;
	s25 =	sshrl.u32 s0, $0x1;
	_ =	swait.ge [sflag:s10], $0x5400  }
0x10d: {  	s0 =	ssub.s32 s0, s25;
	[sflag:s10] =	ssyncset.done $0x0  }
0x10e: {  	s0 =	smax.u32 s0, $0x1;
	[sflag:s10] =	ssyncadd.s32 $0xFFFFAC00  }
0x10f: {  	[hbm4b:s21+s7] =	stream.strided.scatter [tilespmem:s6], [sflag:$0x3], $0x5400, s9, s7, $0x38;
	[tilespmem:$0x1C000] =	vst v63  }
0x110: {  	p0 =	sne.s32 s0, $0x1;
	_ =	swait.ge [sflag:s8], $0x5400  }
.Ltmp0:
0x111: {  	[sflag:s8] =	ssyncset.done $0x0;
	(pc) =	sbr.rel @!p0 .LBB2_2-.Ltmp0, $4  }
0x112: {  	s24 =	sadd.s32 s3, s24;
	[sflag:s8] =	ssyncadd.s32 $0xFFFFAC00  }
0x113: {  	[hbm4b:s24+s7] =	stream.strided.scatter [tilespmem:s6], [sflag:$0x3], $0x5400, s9, s7, $0x38;
	[tilespmem:$0x1C000] =	vst v63  }
0x114: {  	_ =	swait.ge [sflag:s8], $0x5400  }
0x115: {  	s25 =	sadd.s32 $0xFFFFFFFF, s0;
	[sflag:s8] =	ssyncset.done $0x0  }
.LBB2_1:
0x116: {  	[sflag:s8] =	ssyncadd.s32 $0xFFFFAC00;
	s0 =	rddreg [dreg:$0x12]  }
0x117: {  	[tilespmem:s2], [sflag:$0x1] =	stream.linear.gather [hbm4b:s0+s2], $0xE000, $0x38;
	[tilespmem:$0x1C000] =	vst v63  }
0x118: {  	_ =	swait.ge [sflag:s5], $0xE000  }
0x119: {  	[sflag:s5] =	ssyncset.done $0x0  }
0x11a: {  	s0 =	rddreg [dreg:$0x4];
	[sflag:s5] =	ssyncadd.s32 $0xFFFF2000  }
0x11b: {  	[tilespmem:s6], [sflag:$0x2] =	stream.linear.gather [hbm4b:s0+s2], $0xE000, $0x38;
	[tilespmem:$0x1C000] =	vst v63  }
0x11c: {  	s3 =	rddreg [dreg:$0x5]  }
0x11d: {  	[hbm4b:s3+s7] =	stream.strided.scatter [tilespmem:s2], [sflag:$0x3], $0xE000, s9, s7, $0x38;
	[tilespmem:$0x1C000] =	vst v63  }
0x11e: {  	_ =	swait.ge [sflag:s8], $0xE000  }
0x11f: {  	[sflag:s8] =	ssyncset.done $0x0  }
0x120: {  	s3 =	rddreg [dreg:$0x6];
	[sflag:s8] =	ssyncadd.s32 $0xFFFF2000  }
0x121: {  	[hbm4b:s3+s7] =	stream.strided.scatter [tilespmem:s2], [sflag:$0x3], $0xE000, s9, s7, $0x38;
	[tilespmem:$0x1C000] =	vst v63  }
0x122: {  	_ =	swait.ge [sflag:s8], $0xE000  }
0x123: {  	[sflag:s8] =	ssyncset.done $0x0  }
0x124: {  	[sflag:s8] =	ssyncadd.s32 $0xFFFF2000  }
0x125: {  	_ =	swait.ge [sflag:s10], $0xE000  }
0x126: {  	[sflag:s10] =	ssyncset.done $0x0  }
0x127: {  	s0 =	rddreg [dreg:$0x7];
	[sflag:s10] =	ssyncadd.s32 $0xFFFF2000  }
0x128: {  	[tilespmem:s2], [sflag:$0x1] =	stream.linear.gather [hbm4b:s0+s2], $0x5400, $0x38;
	[tilespmem:$0x1C000] =	vst v63  }
0x129: {  	s3 =	rddreg [dreg:$0x8]  }
0x12a: {  	[hbm4b:s3+s7] =	stream.strided.scatter [tilespmem:s6], [sflag:$0x3], $0xE000, s9, s7, $0x38;
	[tilespmem:$0x1C000] =	vst v63  }
0x12b: {  	_ =	swait.ge [sflag:s8], $0xE000  }
0x12c: {  	[sflag:s8] =	ssyncset.done $0x0  }
0x12d: {  	s3 =	rddreg [dreg:$0x9];
	[sflag:s8] =	ssyncadd.s32 $0xFFFF2000  }
0x12e: {  	[hbm4b:s3+s7] =	stream.strided.scatter [tilespmem:s6], [sflag:$0x3], $0xE000, s9, s7, $0x38;
	[tilespmem:$0x1C000] =	vst v63  }
0x12f: {  	_ =	swait.ge [sflag:s8], $0xE000  }
0x130: {  	[sflag:s8] =	ssyncset.done $0x0  }
0x131: {  	[sflag:s8] =	ssyncadd.s32 $0xFFFF2000  }
0x132: {  	_ =	swait.ge [sflag:s5], $0x5400  }
0x133: {  	[sflag:s5] =	ssyncset.done $0x0  }
0x134: {  	[sflag:s5] =	ssyncadd.s32 $0xFFFFAC00  }
0x135: {  	[tilespmem:s6], [sflag:$0x2] =	stream.linear.gather [hbm4b:s4+s2], $0xE000, $0x38;
	[tilespmem:$0x1C000] =	vst v63  }
0x136: {  	s3 =	rddreg [dreg:$0xa]  }
0x137: {  	[hbm4b:s3+s7] =	stream.strided.scatter [tilespmem:s2], [sflag:$0x3], $0x5400, s9, s7, $0x38;
	[tilespmem:$0x1C000] =	vst v63  }
0x138: {  	_ =	swait.ge [sflag:s8], $0x5400  }
0x139: {  	[sflag:s8] =	ssyncset.done $0x0  }
0x13a: {  	s3 =	rddreg [dreg:$0xb];
	[sflag:s8] =	ssyncadd.s32 $0xFFFFAC00  }
0x13b: {  	[hbm4b:s3+s7] =	stream.strided.scatter [tilespmem:s2], [sflag:$0x3], $0x5400, s9, s7, $0x38;
	[tilespmem:$0x1C000] =	vst v63  }
0x13c: {  	_ =	swait.ge [sflag:s8], $0x5400  }
0x13d: {  	[sflag:s8] =	ssyncset.done $0x0  }
0x13e: {  	[sflag:s8] =	ssyncadd.s32 $0xFFFFAC00  }
0x13f: {  	_ =	swait.ge [sflag:s10], $0xE000  }
0x140: {  	[sflag:s10] =	ssyncset.done $0x0  }
0x141: {  	s0 =	rddreg [dreg:$0xc];
	[sflag:s10] =	ssyncadd.s32 $0xFFFF2000  }
0x142: {  	[tilespmem:s2], [sflag:$0x1] =	stream.linear.gather [hbm4b:s0+s2], $0xE000, $0x38;
	[tilespmem:$0x1C000] =	vst v63  }
0x143: {  	s3 =	rddreg [dreg:$0xd]  }
0x144: {  	[hbm4b:s3+s7] =	stream.strided.scatter [tilespmem:s6], [sflag:$0x3], $0xE000, s9, s7, $0x38;
	[tilespmem:$0x1C000] =	vst v63  }
0x145: {  	_ =	swait.ge [sflag:s8], $0xE000  }
0x146: {  	[sflag:s8] =	ssyncset.done $0x0  }
0x147: {  	s3 =	rddreg [dreg:$0xe];
	[sflag:s8] =	ssyncadd.s32 $0xFFFF2000  }
0x148: {  	[hbm4b:s3+s7] =	stream.strided.scatter [tilespmem:s6], [sflag:$0x3], $0xE000, s9, s7, $0x38;
	[tilespmem:$0x1C000] =	vst v63  }
0x149: {  	_ =	swait.ge [sflag:s8], $0xE000  }
0x14a: {  	[sflag:s8] =	ssyncset.done $0x0  }
0x14b: {  	[sflag:s8] =	ssyncadd.s32 $0xFFFF2000  }
0x14c: {  	_ =	swait.ge [sflag:s5], $0xE000  }
0x14d: {  	[sflag:s5] =	ssyncset.done $0x0  }
0x14e: {  	s0 =	rddreg [dreg:$0xf];
	[sflag:s5] =	ssyncadd.s32 $0xFFFF2000  }
0x14f: {  	[tilespmem:s6], [sflag:$0x2] =	stream.linear.gather [hbm4b:s0+s2], $0x5400, $0x38;
	[tilespmem:$0x1C000] =	vst v63  }
0x150: {  	s3 =	rddreg [dreg:$0x10]  }
0x151: {  	[hbm4b:s3+s7] =	stream.strided.scatter [tilespmem:s2], [sflag:$0x3], $0xE000, s9, s7, $0x38;
	[tilespmem:$0x1C000] =	vst v63  }
0x152: {  	_ =	swait.ge [sflag:s8], $0xE000  }
0x153: {  	[sflag:s8] =	ssyncset.done $0x0  }
0x154: {  	s3 =	rddreg [dreg:$0x11];
	[sflag:s8] =	ssyncadd.s32 $0xFFFF2000  }
0x155: {  	[hbm4b:s3+s7] =	stream.strided.scatter [tilespmem:s2], [sflag:$0x3], $0xE000, s9, s7, $0x38;
	[tilespmem:$0x1C000] =	vst v63  }
0x156: {  	_ =	swait.ge [sflag:s8], $0xE000  }
0x157: {  	[sflag:s8] =	ssyncset.done $0x0  }
0x158: {  	[sflag:s8] =	ssyncadd.s32 $0xFFFF2000  }
0x159: {  	_ =	swait.ge [sflag:s10], $0x5400  }
0x15a: {  	[sflag:s10] =	ssyncset.done $0x0  }
0x15b: {  	[sflag:s10] =	ssyncadd.s32 $0xFFFFAC00  }
0x15c: {  	[tilespmem:s2], [sflag:$0x1] =	stream.linear.gather [hbm4b:s11+s2], $0xE000, $0x38;
	[tilespmem:$0x1C000] =	vst v63  }
0x15d: {  	_ = 	snop  }
0x15e: {  	[hbm4b:s12+s7] =	stream.strided.scatter [tilespmem:s6], [sflag:$0x3], $0x5400, s9, s7, $0x38;
	[tilespmem:$0x1C000] =	vst v63  }
0x15f: {  	_ =	swait.ge [sflag:s8], $0x5400  }
0x160: {  	[sflag:s8] =	ssyncset.done $0x0  }
0x161: {  	[sflag:s8] =	ssyncadd.s32 $0xFFFFAC00  }
0x162: {  	[hbm4b:s13+s7] =	stream.strided.scatter [tilespmem:s6], [sflag:$0x3], $0x5400, s9, s7, $0x38;
	[tilespmem:$0x1C000] =	vst v63  }
0x163: {  	_ =	swait.ge [sflag:s8], $0x5400  }
0x164: {  	[sflag:s8] =	ssyncset.done $0x0  }
0x165: {  	[sflag:s8] =	ssyncadd.s32 $0xFFFFAC00  }
0x166: {  	_ =	swait.ge [sflag:s5], $0xE000  }
0x167: {  	[sflag:s5] =	ssyncset.done $0x0  }
0x168: {  	[sflag:s5] =	ssyncadd.s32 $0xFFFF2000  }
0x169: {  	[tilespmem:s6], [sflag:$0x2] =	stream.linear.gather [hbm4b:s14+s2], $0xE000, $0x38;
	[tilespmem:$0x1C000] =	vst v63  }
0x16a: {  	_ = 	snop  }
0x16b: {  	[hbm4b:s15+s7] =	stream.strided.scatter [tilespmem:s2], [sflag:$0x3], $0xE000, s9, s7, $0x38;
	[tilespmem:$0x1C000] =	vst v63  }
0x16c: {  	_ =	swait.ge [sflag:s8], $0xE000  }
0x16d: {  	[sflag:s8] =	ssyncset.done $0x0  }
0x16e: {  	[sflag:s8] =	ssyncadd.s32 $0xFFFF2000  }
0x16f: {  	[hbm4b:s16+s7] =	stream.strided.scatter [tilespmem:s2], [sflag:$0x3], $0xE000, s9, s7, $0x38;
	[tilespmem:$0x1C000] =	vst v63  }
0x170: {  	_ =	swait.ge [sflag:s8], $0xE000  }
0x171: {  	[sflag:s8] =	ssyncset.done $0x0  }
0x172: {  	[sflag:s8] =	ssyncadd.s32 $0xFFFF2000  }
0x173: {  	_ =	swait.ge [sflag:s10], $0xE000  }
0x174: {  	[sflag:s10] =	ssyncset.done $0x0  }
0x175: {  	[sflag:s10] =	ssyncadd.s32 $0xFFFF2000  }
0x176: {  	[tilespmem:s2], [sflag:$0x1] =	stream.linear.gather [hbm4b:s17+s2], $0x5400, $0x38;
	[tilespmem:$0x1C000] =	vst v63  }
0x177: {  	_ = 	snop  }
0x178: {  	[hbm4b:s18+s7] =	stream.strided.scatter [tilespmem:s6], [sflag:$0x3], $0xE000, s9, s7, $0x38;
	[tilespmem:$0x1C000] =	vst v63  }
0x179: {  	_ =	swait.ge [sflag:s8], $0xE000  }
0x17a: {  	[sflag:s8] =	ssyncset.done $0x0  }
0x17b: {  	[sflag:s8] =	ssyncadd.s32 $0xFFFF2000  }
0x17c: {  	[hbm4b:s19+s7] =	stream.strided.scatter [tilespmem:s6], [sflag:$0x3], $0xE000, s9, s7, $0x38;
	[tilespmem:$0x1C000] =	vst v63  }
0x17d: {  	_ =	swait.ge [sflag:s8], $0xE000  }
0x17e: {  	[sflag:s8] =	ssyncset.done $0x0  }
0x17f: {  	[sflag:s8] =	ssyncadd.s32 $0xFFFF2000  }
0x180: {  	_ =	swait.ge [sflag:s5], $0x5400  }
0x181: {  	[sflag:s5] =	ssyncset.done $0x0  }
0x182: {  	[sflag:s5] =	ssyncadd.s32 $0xFFFFAC00  }
0x183: {  	[tilespmem:s6], [sflag:$0x2] =	stream.linear.gather [hbm4b:s20+s2], $0xE000, $0x38;
	[tilespmem:$0x1C000] =	vst v63  }
0x184: {  	_ = 	snop  }
0x185: {  	[hbm4b:s22+s7] =	stream.strided.scatter [tilespmem:s2], [sflag:$0x3], $0x5400, s9, s7, $0x38;
	[tilespmem:$0x1C000] =	vst v63  }
0x186: {  	_ =	swait.ge [sflag:s8], $0x5400  }
0x187: {  	[sflag:s8] =	ssyncset.done $0x0  }
0x188: {  	[sflag:s8] =	ssyncadd.s32 $0xFFFFAC00  }
0x189: {  	[hbm4b:s23+s7] =	stream.strided.scatter [tilespmem:s2], [sflag:$0x3], $0x5400, s9, s7, $0x38;
	[tilespmem:$0x1C000] =	vst v63  }
0x18a: {  	_ =	swait.ge [sflag:s8], $0x5400  }
0x18b: {  	[sflag:s8] =	ssyncset.done $0x0  }
0x18c: {  	[sflag:s8] =	ssyncadd.s32 $0xFFFFAC00  }
0x18d: {  	_ =	swait.ge [sflag:s10], $0xE000  }
0x18e: {  	[sflag:s10] =	ssyncset.done $0x0  }
0x18f: {  	[sflag:s10] =	ssyncadd.s32 $0xFFFF2000  }
0x190: {  	[tilespmem:s2], [sflag:$0x1] =	stream.linear.gather [hbm4b:s26+s2], $0xE000, $0x38;
	[tilespmem:$0x1C000] =	vst v63  }
0x191: {  	_ = 	snop  }
0x192: {  	[hbm4b:s28+s7] =	stream.strided.scatter [tilespmem:s6], [sflag:$0x3], $0xE000, s9, s7, $0x38;
	[tilespmem:$0x1C000] =	vst v63  }
0x193: {  	_ =	swait.ge [sflag:s8], $0xE000  }
0x194: {  	[sflag:s8] =	ssyncset.done $0x0  }
0x195: {  	[sflag:s8] =	ssyncadd.s32 $0xFFFF2000  }
0x196: {  	[hbm4b:s29+s7] =	stream.strided.scatter [tilespmem:s6], [sflag:$0x3], $0xE000, s9, s7, $0x38;
	[tilespmem:$0x1C000] =	vst v63  }
0x197: {  	_ =	swait.ge [sflag:s8], $0xE000  }
0x198: {  	[sflag:s8] =	ssyncset.done $0x0  }
0x199: {  	[sflag:s8] =	ssyncadd.s32 $0xFFFF2000  }
0x19a: {  	_ =	swait.ge [sflag:s5], $0xE000  }
0x19b: {  	[sflag:s5] =	ssyncset.done $0x0  }
0x19c: {  	[sflag:s5] =	ssyncadd.s32 $0xFFFF2000  }
0x19d: {  	[tilespmem:s6], [sflag:$0x2] =	stream.linear.gather [hbm4b:s30+s2], $0x5400, $0x38;
	[tilespmem:$0x1C000] =	vst v63  }
0x19e: {  	_ = 	snop  }
0x19f: {  	[hbm4b:s31+s7] =	stream.strided.scatter [tilespmem:s2], [sflag:$0x3], $0xE000, s9, s7, $0x38;
	[tilespmem:$0x1C000] =	vst v63  }
0x1a0: {  	_ =	swait.ge [sflag:s8], $0xE000  }
0x1a1: {  	[sflag:s8] =	ssyncset.done $0x0  }
0x1a2: {  	[sflag:s8] =	ssyncadd.s32 $0xFFFF2000  }
0x1a3: {  	[hbm4b:s1+s7] =	stream.strided.scatter [tilespmem:s2], [sflag:$0x3], $0xE000, s9, s7, $0x38;
	[tilespmem:$0x1C000] =	vst v63  }
0x1a4: {  	_ =	swait.ge [sflag:s8], $0xE000  }
0x1a5: {  	[sflag:s8] =	ssyncset.done $0x0  }
0x1a6: {  	[sflag:s8] =	ssyncadd.s32 $0xFFFF2000  }
0x1a7: {  	_ =	swait.ge [sflag:s10], $0x5400  }
0x1a8: {  	[sflag:s10] =	ssyncset.done $0x0  }
0x1a9: {  	[sflag:s10] =	ssyncadd.s32 $0xFFFFAC00  }
0x1aa: {  	[hbm4b:s21+s7] =	stream.strided.scatter [tilespmem:s6], [sflag:$0x3], $0x5400, s9, s7, $0x38;
	[tilespmem:$0x1C000] =	vst v63  }
0x1ab: {  	p0 =	sne.s32 s25, $0x1;
	_ =	swait.ge [sflag:s8], $0x5400  }
.Ltmp1:
0x1ac: {  	[sflag:s8] =	ssyncset.done $0x0;
	(pc) =	sbr.rel @p0 .LBB2_1-.Ltmp1, $4  }
0x1ad: {  	[sflag:s8] =	ssyncadd.s32 $0xFFFFAC00  }
0x1ae: {  	[hbm4b:s24+s7] =	stream.strided.scatter [tilespmem:s6], [sflag:$0x3], $0x5400, s9, s7, $0x38;
	[tilespmem:$0x1C000] =	vst v63  }
0x1af: {  	_ =	swait.ge [sflag:s8], $0x5400  }
0x1b0: {  	s25 =	sadd.s32 $0xFFFFFFFF, s25;
	[sflag:s8] =	ssyncset.done $0x0  }
.LBB2_2:
0x1b1: {  	[sflag:s8] =	ssyncadd.s32 $0xFFFFAC00  }
0x1b2: {  	_ =	sfence.sel $0x180000  }
0x1b3: {  	[bflag:$0x0] =	sbarrier.arrive $0xFFFF  }
0x1b4: {  	_ =	strace $0x90000047  }
0x1b5: {  	s0 =	stileid.u32;
	[bflag:$0x2] =	sbarrier.arrive $0xFFFF  }
0x1b6: {  	p0 =	sne.s32 s0, $0x0;
	s0 =	rddreg [dreg:$0x3]  }
0x1b7: {  	s0 =	sadd.s32 @!p0 $0x100000, s0  }
0x1b8: {  	[sflag:s0] =	ssyncadd.tile.s32 @!p0 $0x1;
	_ =	shalt  }
.Lfunc_end2:
_tile_overlayer_lowered:
.L_overlay_start_2:
0x1b9: {  	(tag) =	ssettag $0x2  }
0x1ba: {  	s0 =	rddreg [dreg:$0x0];
	s2 =	stileid.u32  }
0x1bb: {  	s1 =	rddreg [dreg:$0x1];
	p0 =	sne.s32 s2, $0x0  }
0x1bc: {  	s3 =	rddreg [dreg:$0x2];
	[bflag:$0x3] =	sbarrier.arrive $0xFFFF;
	s2 =	simm.s32 @!p0 $0x1C03  }
0x1bd: {  	[timem:s3], [sflag:s2] =	dma.local @!p0 [hbm:s0], s1  }
0x1be: {  	s0 =	simm.s32 @!p0 $0x3  }
0x1bf: {  	_ =	swait.ge @!p0 [sflag:s0], s1  }
0x1c0: {  	s1 =	ssub.s32 @!p0 $0x0, s1;
	[sflag:s0] =	ssyncset.done @!p0 $0x0  }
0x1c1: {  	[sflag:s0] =	ssyncadd.s32 @!p0 s1  }
0x1c2: {  	[bflag:$0x3] =	sbarrier.arrive $0xFFFF  }
0x1c3: {  	_ =	shalt  }

</sc_bundles>
